<compile_context>
chip_gen: v7x
topology: tpu7x:2x2x1
jax: 0.10.2.dev20260603
libtpu: 0.0.44.dev20260713+nightly
codegen_flags: <defaults>
</compile_context>

<pallas_src>
import functools

import jax
import jax.numpy as jnp
from jax import lax
from jax.experimental import pallas as pl
from jax.experimental.pallas import tpu as pltpu
from jax.experimental.pallas import tpu_sc as plsc

_B = 8
_N = 4096
_S = 512
_K = 32
_R2 = 1.0
_NC = 2
_NS = 16
_P = _B * _S * _K


def _fps_body(cx_ref, cy_ref, cz_ref, far0_ref, ax_ref, ay_ref, az_ref):
    cx = cx_ref[...]
    cy = cy_ref[...]
    cz = cz_ref[...]
    iota_n = lax.broadcasted_iota(jnp.int32, (_B, _N), 1)
    iota_s = lax.broadcasted_iota(jnp.int32, (_B, _S), 1)
    dist0 = jnp.full((_B, _N), jnp.inf, dtype=jnp.float32)
    zero_s = jnp.zeros((_B, _S), dtype=jnp.float32)

    def body(i, carry):
        dist, far, ax, ay, az = carry
        onehot = iota_n == far
        selx = jnp.sum(jnp.where(onehot, cx, 0.0), axis=1, keepdims=True)
        sely = jnp.sum(jnp.where(onehot, cy, 0.0), axis=1, keepdims=True)
        selz = jnp.sum(jnp.where(onehot, cz, 0.0), axis=1, keepdims=True)
        ax = jnp.where(iota_s == i, selx, ax)
        ay = jnp.where(iota_s == i, sely, ay)
        az = jnp.where(iota_s == i, selz, az)
        dx = cx - selx
        d = dx * dx
        dy = cy - sely
        d = d + dy * dy
        dz = cz - selz
        d = d + dz * dz
        dist = jnp.minimum(dist, d)
        far = jnp.argmax(dist, axis=1).astype(jnp.int32).reshape(_B, 1)
        return dist, far, ax, ay, az

    _, _, ax, ay, az = lax.fori_loop(
        0, _S, body, (dist0, far0_ref[...], zero_s, zero_s, zero_s))
    ax_ref[...] = ax
    ay_ref[...] = ay
    az_ref[...] = az


def _fps_call(cx, cy, cz, far0):
    out = jax.ShapeDtypeStruct((_B, _S), jnp.float32)
    return pl.pallas_call(
        _fps_body,
        out_shape=(out, out, out),
    )(cx, cy, cz, far0)


def _bq_body(cx_ref, cy_ref, cz_ref, sx_ref, sy_ref, sz_ref, out_ref):
    b = pl.program_id(0)
    cx = cx_ref[0]
    cy = cy_ref[0]
    cz = cz_ref[0]
    sx = sx_ref[0]
    sy = sy_ref[0]
    sz = sz_ref[0]
    s3 = jnp.concatenate([sx, sy, sz], axis=1).astype(jnp.bfloat16)
    c3 = jnp.concatenate([cx, cy, cz], axis=0).astype(jnp.bfloat16)
    t = jnp.dot(s3, c3, preferred_element_type=jnp.float32)
    ns = sx * sx
    ns = ns + sy * sy
    ns = ns + sz * sz
    nd = cx * cx
    nd = nd + cy * cy
    nd = nd + cz * cz
    sq = -2.0 * t + ns
    sq = sq + nd
    nw = _N // 16
    wrd = jnp.zeros((_S, nw), jnp.int32)
    for j in range(16):
        blk = sq[:, j * nw:(j + 1) * nw]
        wrd = wrd + jnp.where(blk <= _R2, jnp.int32(1 << j), 0)
    iota_c = lax.broadcasted_iota(jnp.int32, (_S, nw), 1)
    iota_k = lax.broadcasted_iota(jnp.int32, (_S, _K), 1)
    big = jnp.int32(1 << 30)

    def _ctz16(v):
        lsb = jnp.bitwise_and(v, -v)
        f = lsb.astype(jnp.float32)
        return lax.shift_right_arithmetic(
            lax.bitcast_convert_type(f, jnp.int32), 23) - 127

    keys = jnp.where(wrd != 0, _ctz16(wrd) * jnp.int32(nw) + iota_c, big)

    def body(k, carry):
        wrd, keys, first, acc = carry
        mk = jnp.min(keys, axis=1, keepdims=True)
        valid = mk < big
        first = jnp.where(k == 0, mk, first)
        val = jnp.where(valid, mk, first)
        acc = jnp.where(iota_k == k, val + b * _N, acc)
        cstar = jnp.bitwise_and(mk, nw - 1)
        jstar = jnp.bitwise_and(lax.shift_right_arithmetic(mk, 8), 15)
        vnew = jnp.sum(jnp.where(iota_c == cstar, wrd, 0),
                       axis=1, keepdims=True)
        vnew = vnew - lax.shift_left(jnp.int32(1), jstar)
        sel = valid & (iota_c == cstar)
        wrd = jnp.where(sel, vnew, wrd)
        knew = jnp.where(vnew != 0, _ctz16(vnew) * jnp.int32(nw) + cstar, big)
        keys = jnp.where(sel, knew, keys)
        return wrd, keys, first, acc

    _, _, _, acc = lax.fori_loop(
        0, _K, body,
        (wrd, keys, jnp.zeros((_S, 1), jnp.int32),
         jnp.zeros((_S, _K), jnp.int32)))
    out_ref[0] = acc


def _bq_call(cx3, cy3, cz3, sx3, sy3, sz3):
    cspec = pl.BlockSpec((1, 1, _N), lambda b: (b, 0, 0))
    sspec = pl.BlockSpec((1, _S, 1), lambda b: (b, 0, 0))
    return pl.pallas_call(
        _bq_body,
        grid=(_B,),
        in_specs=[cspec, cspec, cspec, sspec, sspec, sspec],
        out_specs=pl.BlockSpec((1, _S, _K), lambda b: (b, 0, 0)),
        out_shape=jax.ShapeDtypeStruct((_B, _S, _K), jnp.int32),
    )(cx3, cy3, cz3, sx3, sy3, sz3)


def _gather_call(table, idx):
    nw = _NC * _NS
    bpw = _P // nw
    mesh = plsc.VectorSubcoreMesh(core_axis_name="c", subcore_axis_name="s")

    @functools.partial(
        pl.kernel,
        mesh=mesh,
        compiler_params=pltpu.CompilerParams(use_tc_tiling_on_sc=False),
        out_type=jax.ShapeDtypeStruct((_P, 8), jnp.float32),
        scratch_types=[
            pltpu.VMEM((bpw,), jnp.int32),
            pltpu.VMEM((bpw, 8), jnp.float32),
            pltpu.SemaphoreType.DMA,
        ],
    )
    def k(table_hbm, idx_hbm, out_hbm, idx_v, rows_v, sem):
        wid = lax.axis_index("s") * _NC + lax.axis_index("c")
        base = wid * bpw
        pltpu.sync_copy(idx_hbm.at[pl.ds(base, bpw)], idx_v)
        pltpu.async_copy(table_hbm.at[idx_v], rows_v, sem).wait()
        pltpu.sync_copy(rows_v, out_hbm.at[pl.ds(base, bpw)])

    return k(table, idx)


_CH = 8192
_NCHUNK = _P // _CH
_HI = lax.Precision.HIGHEST


def _stats_add(xc, cs, m2):
    cs = cs + jnp.sum(xc, axis=1, keepdims=True)
    m2 = m2 + lax.dot_general(xc, xc, (((1,), (1,)), ((), ())),
                              precision=_HI,
                              preferred_element_type=jnp.float32)
    return cs, m2


def _affine_from_stats(cs, m2, w, b, g, be):
    pf = jnp.float32(1.0 / _P)
    mu = cs * pf
    mwx = jnp.dot(w, mu, precision=_HI)
    mean_y = mwx + b
    a = jnp.dot(w, m2, precision=_HI)
    e2 = jnp.sum(w * a, axis=1, keepdims=True) * pf
    ey2 = e2 + 2.0 * b * mwx + b * b
    var = ey2 - mean_y * mean_y
    s = g * lax.rsqrt(var + 1e-5)
    t = s * (b - mean_y) + be
    return s, t


def _layer0_body(gt_ref, ctr_ref, w_ref, b_ref, g_ref, e_ref,
                 xo_ref, cso_ref, m2o_ref):
    w = w_ref[...]

    def sbody(j, carry):
        xc = gt_ref[:, pl.ds(j * _CH, _CH)] - ctr_ref[:, pl.ds(j * _CH, _CH)]
        return _stats_add(xc, *carry)

    cs0, m20 = lax.fori_loop(
        0, _NCHUNK, sbody,
        (jnp.zeros((8, 1), jnp.float32), jnp.zeros((8, 8), jnp.float32)))
    s, t = _affine_from_stats(cs0, m20, w, b_ref[...], g_ref[...], e_ref[...])

    def tbody(j, carry):
        xc = gt_ref[:, pl.ds(j * _CH, _CH)] - ctr_ref[:, pl.ds(j * _CH, _CH)]
        y = jnp.dot(w, xc, precision=_HI, preferred_element_type=jnp.float32)
        y = jnp.maximum(y * s + t, 0.0)
        xo_ref[:, pl.ds(j * _CH, _CH)] = y
        return _stats_add(y, *carry)

    cs1, m21 = lax.fori_loop(
        0, _NCHUNK, tbody,
        (jnp.zeros((32, 1), jnp.float32), jnp.zeros((32, 32), jnp.float32)))
    cso_ref[...] = cs1
    m2o_ref[...] = m21


def _layer1_body(x_ref, cs_ref, m2_ref, w_ref, b_ref, g_ref, e_ref,
                 xo_ref, cso_ref, m2o_ref):
    w = w_ref[...]
    s, t = _affine_from_stats(cs_ref[...], m2_ref[...], w,
                              b_ref[...], g_ref[...], e_ref[...])

    def tbody(j, carry):
        xc = x_ref[:, pl.ds(j * _CH, _CH)]
        y = jnp.dot(w, xc, precision=_HI, preferred_element_type=jnp.float32)
        y = jnp.maximum(y * s + t, 0.0)
        xo_ref[:, pl.ds(j * _CH, _CH)] = y
        return _stats_add(y, *carry)

    cs1, m21 = lax.fori_loop(
        0, _NCHUNK, tbody,
        (jnp.zeros((32, 1), jnp.float32), jnp.zeros((32, 32), jnp.float32)))
    cso_ref[...] = cs1
    m2o_ref[...] = m21


def _layer2_body(x_ref, cs_ref, m2_ref, w_ref, b_ref, g_ref, e_ref, out_ref):
    w = w_ref[...]
    s, t = _affine_from_stats(cs_ref[...], m2_ref[...], w,
                              b_ref[...], g_ref[...], e_ref[...])
    bs = _B * _S

    def kbody(k, acc):
        xc = x_ref[:, pl.ds(k * bs, bs)]
        y = jnp.dot(w, xc, precision=_HI, preferred_element_type=jnp.float32)
        y = jnp.maximum(y * s + t, 0.0)
        return jnp.maximum(acc, y)

    out_ref[...] = lax.fori_loop(
        0, _K, kbody, jnp.full((64, bs), -jnp.inf, jnp.float32))


def _mlp_call(gt, ctrp, w0, b0, g0, be0, w1, b1, g1, be1, w2, b2, g2, be2):
    f32 = jnp.float32
    x1, cs1, m21 = pl.pallas_call(
        _layer0_body,
        out_shape=(jax.ShapeDtypeStruct((32, _P), f32),
                   jax.ShapeDtypeStruct((32, 1), f32),
                   jax.ShapeDtypeStruct((32, 32), f32)),
    )(gt, ctrp, w0, b0, g0, be0)
    x2, cs2, m22 = pl.pallas_call(
        _layer1_body,
        out_shape=(jax.ShapeDtypeStruct((32, _P), f32),
                   jax.ShapeDtypeStruct((32, 1), f32),
                   jax.ShapeDtypeStruct((32, 32), f32)),
    )(x1, cs1, m21, w1, b1, g1, be1)
    return pl.pallas_call(
        _layer2_body,
        out_shape=jax.ShapeDtypeStruct((64, _B * _S), f32),
    )(x2, cs2, m22, w2, b2, g2, be2)


def kernel(coords, data, W0, b0, g0, be0, W1, b1, g1, be1, W2, b2, g2, be2):
    f32 = jnp.float32
    cx = coords[:, :, 0]
    cy = coords[:, :, 1]
    cz = coords[:, :, 2]
    far0 = jax.random.randint(jax.random.key(1), (_B,), 0, _N)
    far0 = far0.astype(jnp.int32).reshape(_B, 1)

    scx, scy, scz = _fps_call(cx, cy, cz, far0)
    sample_coords = jnp.stack([scx, scy, scz], axis=-1)

    gidx = _bq_call(
        cx.reshape(_B, 1, _N), cy.reshape(_B, 1, _N), cz.reshape(_B, 1, _N),
        scx.reshape(_B, _S, 1), scy.reshape(_B, _S, 1),
        scz.reshape(_B, _S, 1))

    idx_flat = jnp.transpose(gidx, (2, 0, 1)).reshape(_P)

    table = jnp.concatenate(
        [coords, data, jnp.zeros((_B, _N, 2), f32)], axis=-1).reshape(_B * _N, 8)
    gathered = _gather_call(table, idx_flat)
    gt = jnp.transpose(gathered, (1, 0))

    ctr = jnp.concatenate(
        [sample_coords, jnp.zeros((_B, _S, 5), f32)],
        axis=-1).reshape(_B * _S, 8).T
    ctrp = jnp.tile(ctr, (1, _K))

    w0p = jnp.concatenate([W0, jnp.zeros((32, 2), f32)], axis=1)
    col = lambda v: v.reshape(-1, 1)
    feats = _mlp_call(
        gt, ctrp,
        w0p, col(b0), col(g0), col(be0),
        W1, col(b1), col(g1), col(be1),
        W2, col(b2), col(g2), col(be2))
    sample_feats = feats.T.reshape(_B, _S, 64)
    return sample_coords, sample_feats

# --- scband reference (transcript-rebuilt; emitter-appended) ---
"""Pipeline reference for scband-point-net-set-abstraction-28982439313472 (READ-ONLY COPY).

The authoritative reference and input builder live on the scoring server;
editing this copy changes nothing except your own understanding.
"""

import jax, jax.numpy as jnp
import numpy as np

SAMPLE_NUM = 512
RADIUS = 1.0
NSAMPLE = 32


def squared_dist_mat(src, dst):
    d = -2.0 * jnp.matmul(src, jnp.swapaxes(dst, 1, 2))
    d = d + jnp.sum(src ** 2, -1)[:, :, None]
    d = d + jnp.sum(dst ** 2, -1)[:, None, :]
    return d


def farthest_point_sampling(coords, sample_num, key):
    B, N, _ = coords.shape
    farthest = jax.random.randint(key, (B,), 0, N).astype(jnp.int32)
    dist = jnp.full((B, N), jnp.inf, dtype=coords.dtype)
    idxs = jnp.zeros((B, sample_num), dtype=jnp.int32)

    def body(i, carry):
        idxs, dist, far = carry
        idxs = idxs.at[:, i].set(far)
        centroid = coords[jnp.arange(B), far][:, None, :]
        d = jnp.sum((coords - centroid) ** 2, axis=-1)
        dist = jnp.minimum(dist, d)
        far = jnp.argmax(dist, axis=-1).astype(jnp.int32)
        return (idxs, dist, far)

    idxs, _, _ = jax.lax.fori_loop(0, sample_num, body, (idxs, dist, farthest))
    return idxs


def select_data(data, idx):
    B = data.shape[0]
    batch = jnp.arange(B).reshape((B,) + (1,) * (idx.ndim - 1))
    return data[batch, idx]


def group_points_to_samples(radius, nsample, coords, sample_coords):
    B, N, _ = coords.shape
    S = sample_coords.shape[1]
    sq = squared_dist_mat(sample_coords, coords)
    idx = jnp.broadcast_to(jnp.arange(N, dtype=jnp.int32), (B, S, N))
    idx = jnp.where(sq > radius ** 2, jnp.int32(N), idx)
    idx = jnp.sort(idx, axis=-1)[:, :, :nsample]
    first = idx[:, :, :1]
    idx = jnp.where(idx == N, jnp.broadcast_to(first, idx.shape), idx)
    return idx


def setup_inputs(seed: int = 0) -> dict:
    key = jax.random.key(seed)
    ks = jax.random.split(key, 16)
    B, N = 8, 4096
    coords = jax.random.normal(ks[0], (B, N, 3), dtype=jnp.float32)
    data = jax.random.normal(ks[1], (B, N, 3), dtype=jnp.float32)
    chans = [6, 32, 32, 64]
    inp = {"coords": coords, "data": data}
    for li in range(3):
        cin, cout = chans[li], chans[li + 1]
        inp[f"W{li}"] = jax.random.normal(ks[2 + li], (cout, cin), dtype=jnp.float32) * 0.1
        inp[f"b{li}"] = jnp.zeros((cout,), dtype=jnp.float32)
        inp[f"g{li}"] = jnp.ones((cout,), dtype=jnp.float32)
        inp[f"be{li}"] = jnp.zeros((cout,), dtype=jnp.float32)
    return inp


def reference(coords, data, W0, b0, g0, be0, W1, b1, g1, be1, W2, b2, g2, be2):
    B, N, _ = coords.shape
    fps_idx = farthest_point_sampling(coords, SAMPLE_NUM, jax.random.key(1))
    sample_coords = select_data(coords, fps_idx)
    grouped_idx = group_points_to_samples(RADIUS, NSAMPLE, coords, sample_coords)
    grouped_coords = select_data(coords, grouped_idx)
    grouped_rel = grouped_coords - sample_coords[:, :, None, :]
    grouped_pts = select_data(data, grouped_idx)
    new_points = jnp.concatenate([grouped_rel, grouped_pts], axis=-1)
    x = jnp.transpose(new_points, (0, 3, 2, 1))  # [B, C, G, S]
    for W, b, g, be in ((W0, b0, g0, be0), (W1, b1, g1, be1), (W2, b2, g2, be2)):
        x = jnp.einsum('oc,bcgs->bogs', W, x) + b[None, :, None, None]
        mean = jnp.mean(x, axis=(0, 2, 3), keepdims=True)
        var = jnp.var(x, axis=(0, 2, 3), keepdims=True)
        x = g[None, :, None, None] * (x - mean) / jnp.sqrt(var + 1e-5) + be[None, :, None, None]
        x = jax.nn.relu(x)
    feats = jnp.max(x, axis=2)  # [B, F, S]
    sample_feats = jnp.transpose(feats, (0, 2, 1))  # [B, S, F]
    return sample_coords, sample_feats

if __name__ == "__main__":
    import jax
    _d = setup_inputs()
    print(jax.jit(kernel)(*tuple(_d.values())))

</pallas_src>

<mosaic_0001>
#map = affine_map<(d0, d1) -> (0, 0)>
#map1 = affine_map<(d0, d1) -> (0)>
module attributes {stable_mosaic.version = 14 : i64} {
  func.func @k(%arg0: i32, %arg1: i32, %arg2: memref<32768x8xf32, #tpu.memory_space<hbm>>, %arg3: memref<131072xi32, #tpu.memory_space<hbm>>, %arg4: memref<131072x8xf32, #tpu.memory_space<hbm>>, %arg5: memref<4096xi32, #tpu.memory_space<vmem>>, %arg6: memref<4096x8xf32, #tpu.memory_space<vmem>>, %arg7: memref<!tpu.dma_semaphore, #tpu.memory_space<semaphore_mem>>) attributes {dimension_semantics = [#tpu.dimension_semantics<core_parallel>, #tpu.dimension_semantics<subcore_parallel>], iteration_bounds = array<i64: 2, 16>, scalar_prefetch = 0 : i64, scratch_operands = 3 : i64, tpu.core_type = #tpu.core_type<sc_vector_subcore>, window_params = [{transform_indices = #map}, {transform_indices = #map1}, {transform_indices = #map}]} {
    %mul3A = arith.constant 2 : i32
    %mul3A_0 = arith.muli %arg1, %mul3A : i32
    %add3A = arith.addi %mul3A_0, %arg0 : i32
    %mul3A_1 = arith.constant 4096 : i32
    %mul3A_2 = arith.muli %add3A, %mul3A_1 : i32
    "tpu.region"() ({
      %run_scoped3A = tpu.sem_alloc : memref<!tpu.dma_semaphore, #tpu.memory_space<semaphore_mem>>
      %dma_start3A_7 = tpu.memref_slice %arg3[%mul3A_2] : memref<131072xi32, #tpu.memory_space<hbm>> -> memref<4096xi32, #tpu.memory_space<hbm>>
      %dma_start3A_8 = tpu.memref_slice %arg3[%mul3A_2] : memref<131072xi32, #tpu.memory_space<hbm>> -> memref<4096xi32, #tpu.memory_space<hbm>>
      tpu.enqueue_dma source(%dma_start3A_8 : memref<4096xi32, #tpu.memory_space<hbm>>) target(%arg5 : memref<4096xi32, #tpu.memory_space<vmem>>) target_semaphore(%run_scoped3A : memref<!tpu.dma_semaphore, #tpu.memory_space<semaphore_mem>>)
      %dma_wait3A_9 = tpu.memref_slice %arg3[%mul3A_2] : memref<131072xi32, #tpu.memory_space<hbm>> -> memref<4096xi32, #tpu.memory_space<hbm>>
      %dma_wait3A_10 = tpu.memref_slice %arg3[%mul3A_2] : memref<131072xi32, #tpu.memory_space<hbm>> -> memref<4096xi32, #tpu.memory_space<hbm>>
      tpu.wait_dma2 semaphore(%run_scoped3A : memref<!tpu.dma_semaphore, #tpu.memory_space<semaphore_mem>>) src(%dma_wait3A_10 : memref<4096xi32, #tpu.memory_space<hbm>>) dst(%arg5 : memref<4096xi32, #tpu.memory_space<vmem>>)
      tpu.yield
    }) : () -> ()
    %dma_start3A = arith.constant 0 : i32
    %dma_start3A_3 = arith.constant 0 : i32
    %dma_start3A_4 = tpu.memref_slice %arg2[%dma_start3A, %dma_start3A_3] : memref<32768x8xf32, #tpu.memory_space<hbm>> -> memref<32768x8xf32, #tpu.memory_space<hbm>>
    tpu.enqueue_indirect_dma source(%dma_start3A_4 : memref<32768x8xf32, #tpu.memory_space<hbm>>) target(%arg6 : memref<4096x8xf32, #tpu.memory_space<vmem>>) offsets(%arg5 : memref<4096xi32, #tpu.memory_space<vmem>>) semaphore(%arg7 : memref<!tpu.dma_semaphore, #tpu.memory_space<semaphore_mem>>)
    %dma_wait3A = arith.constant 0 : i32
    %dma_wait3A_5 = arith.constant 0 : i32
    %dma_wait3A_6 = tpu.memref_slice %arg2[%dma_wait3A, %dma_wait3A_5] : memref<32768x8xf32, #tpu.memory_space<hbm>> -> memref<32768x8xf32, #tpu.memory_space<hbm>>
    tpu.wait_indirect_dma semaphore(%arg7 : memref<!tpu.dma_semaphore, #tpu.memory_space<semaphore_mem>>) src(%dma_wait3A_6 : memref<32768x8xf32, #tpu.memory_space<hbm>>) dst(%arg6 : memref<4096x8xf32, #tpu.memory_space<vmem>>)
    "tpu.region"() ({
      %run_scoped3A = tpu.sem_alloc : memref<!tpu.dma_semaphore, #tpu.memory_space<semaphore_mem>>
      %dma_start3A_7 = arith.constant 0 : i32
      %dma_start3A_8 = tpu.memref_slice %arg4[%mul3A_2, %dma_start3A_7] : memref<131072x8xf32, #tpu.memory_space<hbm>> -> memref<4096x8xf32, #tpu.memory_space<hbm>>
      %dma_start3A_9 = arith.constant 0 : i32
      %dma_start3A_10 = tpu.memref_slice %arg4[%mul3A_2, %dma_start3A_9] : memref<131072x8xf32, #tpu.memory_space<hbm>> -> memref<4096x8xf32, #tpu.memory_space<hbm>>
      tpu.enqueue_dma source(%arg6 : memref<4096x8xf32, #tpu.memory_space<vmem>>) target(%dma_start3A_10 : memref<4096x8xf32, #tpu.memory_space<hbm>>) target_semaphore(%run_scoped3A : memref<!tpu.dma_semaphore, #tpu.memory_space<semaphore_mem>>)
      %dma_wait3A_11 = arith.constant 0 : i32
      %dma_wait3A_12 = tpu.memref_slice %arg4[%mul3A_2, %dma_wait3A_11] : memref<131072x8xf32, #tpu.memory_space<hbm>> -> memref<4096x8xf32, #tpu.memory_space<hbm>>
      %dma_wait3A_13 = arith.constant 0 : i32
      %dma_wait3A_14 = tpu.memref_slice %arg4[%mul3A_2, %dma_wait3A_13] : memref<131072x8xf32, #tpu.memory_space<hbm>> -> memref<4096x8xf32, #tpu.memory_space<hbm>>
      tpu.wait_dma2 semaphore(%run_scoped3A : memref<!tpu.dma_semaphore, #tpu.memory_space<semaphore_mem>>) src(%arg6 : memref<4096x8xf32, #tpu.memory_space<vmem>>) dst(%dma_wait3A_14 : memref<4096x8xf32, #tpu.memory_space<hbm>>)
      tpu.yield
    }) : () -> ()
    return
  }
}

module attributes {stable_mosaic.version = 14 : i64} {
  func.func @_fps_body(%arg0: memref<8x4096xf32, #tpu.memory_space<vmem>>, %arg1: memref<8x4096xf32, #tpu.memory_space<vmem>>, %arg2: memref<8x4096xf32, #tpu.memory_space<vmem>>, %arg3: memref<8x1xi32, #tpu.memory_space<vmem>>, %arg4: memref<8x512xf32, #tpu.memory_space<vmem>>, %arg5: memref<8x512xf32, #tpu.memory_space<vmem>>, %arg6: memref<8x512xf32, #tpu.memory_space<vmem>>) attributes {dimension_semantics = [], scalar_prefetch = 0 : i64, scratch_operands = 0 : i64, tpu.core_type = #tpu.core_type<tc>} {
    %get3A = arith.constant 0 : index
    %get3A_0 = arith.constant 0 : index
    %get3A_1 = vector.load %arg0[%get3A, %get3A_0] : memref<8x4096xf32, #tpu.memory_space<vmem>>, vector<8x4096xf32>
    %get3A_2 = arith.constant 0 : index
    %get3A_3 = arith.constant 0 : index
    %get3A_4 = vector.load %arg1[%get3A_2, %get3A_3] : memref<8x4096xf32, #tpu.memory_space<vmem>>, vector<8x4096xf32>
    %get3A_5 = arith.constant 0 : index
    %get3A_6 = arith.constant 0 : index
    %get3A_7 = vector.load %arg2[%get3A_5, %get3A_6] : memref<8x4096xf32, #tpu.memory_space<vmem>>, vector<8x4096xf32>
    %iota3A = tpu.iota {dimensions = array<i32: 1>} : vector<8x4096xi32>
    %iota3A_8 = tpu.iota {dimensions = array<i32: 1>} : vector<8x512xi32>
    %broadcast_in_dim3A = arith.constant 0x7F800000 : f32
    %broadcast_in_dim3A_9 = vector.broadcast %broadcast_in_dim3A : f32 to vector<8x4096xf32>
    %broadcast_in_dim3A_10 = arith.constant 0.000000e+00 : f32
    %broadcast_in_dim3A_11 = vector.broadcast %broadcast_in_dim3A_10 : f32 to vector<8x512xf32>
    %get3A_12 = arith.constant 0 : index
    %get3A_13 = arith.constant 0 : index
    %get3A_14 = vector.load %arg3[%get3A_12, %get3A_13] : memref<8x1xi32, #tpu.memory_space<vmem>>, vector<8x1xi32>
    %scan3A = arith.constant 0 : i32
    %scan3A_15 = arith.constant 512 : i32
    %scan3A_16 = arith.addi %scan3A, %scan3A_15 : i32
    %scan3A_17 = arith.constant 1 : i32
    %scan3A_18:5 = scf.for %scan3A_28 = %scan3A to %scan3A_16 step %scan3A_17 iter_args(%scan3A_29 = %broadcast_in_dim3A_9, %scan3A_30 = %get3A_14, %scan3A_31 = %broadcast_in_dim3A_11, %scan3A_32 = %broadcast_in_dim3A_11, %scan3A_33 = %broadcast_in_dim3A_11) -> (vector<8x4096xf32>, vector<8x1xi32>, vector<8x512xf32>, vector<8x512xf32>, vector<8x512xf32>)  : i32 {
      %eq3A = vector.broadcast %scan3A_30 : vector<8x1xi32> to vector<8x4096xi32>
      %eq3A_34 = arith.cmpi eq, %iota3A, %eq3A : vector<8x4096xi32>
      %jit3A = arith.constant 0.000000e+00 : f32
      %broadcast_in_dim3A_35 = vector.broadcast %jit3A : f32 to vector<8x4096xf32>
      %select_n3A = arith.select %eq3A_34, %get3A_1, %broadcast_in_dim3A_35 : vector<8x4096xi1>, vector<8x4096xf32>
      %reduce_sum3A = arith.constant dense<0.000000e+00> : vector<8xf32>
      %reduce_sum3A_36 = vector.multi_reduction <add>, %select_n3A, %reduce_sum3A [1] : vector<8x4096xf32> to vector<8xf32>
      %broadcast_in_dim3A_37 = vector.shape_cast %reduce_sum3A_36 : vector<8xf32> to vector<8x1xf32>
      %jit3A_38 = arith.constant 0.000000e+00 : f32
      %broadcast_in_dim3A_39 = vector.broadcast %jit3A_38 : f32 to vector<8x4096xf32>
      %select_n3A_40 = arith.select %eq3A_34, %get3A_4, %broadcast_in_dim3A_39 : vector<8x4096xi1>, vector<8x4096xf32>
      %reduce_sum3A_41 = arith.constant dense<0.000000e+00> : vector<8xf32>
      %reduce_sum3A_42 = vector.multi_reduction <add>, %select_n3A_40, %reduce_sum3A_41 [1] : vector<8x4096xf32> to vector<8xf32>
      %broadcast_in_dim3A_43 = vector.shape_cast %reduce_sum3A_42 : vector<8xf32> to vector<8x1xf32>
      %jit3A_44 = arith.constant 0.000000e+00 : f32
      %broadcast_in_dim3A_45 = vector.broadcast %jit3A_44 : f32 to vector<8x4096xf32>
      %select_n3A_46 = arith.select %eq3A_34, %get3A_7, %broadcast_in_dim3A_45 : vector<8x4096xi1>, vector<8x4096xf32>
      %reduce_sum3A_47 = arith.constant dense<0.000000e+00> : vector<8xf32>
      %reduce_sum3A_48 = vector.multi_reduction <add>, %select_n3A_46, %reduce_sum3A_47 [1] : vector<8x4096xf32> to vector<8xf32>
      %broadcast_in_dim3A_49 = vector.shape_cast %reduce_sum3A_48 : vector<8xf32> to vector<8x1xf32>
      %eq3A_50 = vector.broadcast %scan3A_28 : i32 to vector<8x512xi32>
      %eq3A_51 = arith.cmpi eq, %iota3A_8, %eq3A_50 : vector<8x512xi32>
      %broadcast_in_dim3A_52 = vector.shape_cast %broadcast_in_dim3A_37 : vector<8x1xf32> to vector<8x1xf32>
      %broadcast_in_dim3A_53 = vector.broadcast %broadcast_in_dim3A_52 : vector<8x1xf32> to vector<8x512xf32>
      %select_n3A_54 = arith.select %eq3A_51, %broadcast_in_dim3A_53, %scan3A_31 : vector<8x512xi1>, vector<8x512xf32>
      %eq3A_55 = vector.broadcast %scan3A_28 : i32 to vector<8x512xi32>
      %eq3A_56 = arith.cmpi eq, %iota3A_8, %eq3A_55 : vector<8x512xi32>
      %broadcast_in_dim3A_57 = vector.shape_cast %broadcast_in_dim3A_43 : vector<8x1xf32> to vector<8x1xf32>
      %broadcast_in_dim3A_58 = vector.broadcast %broadcast_in_dim3A_57 : vector<8x1xf32> to vector<8x512xf32>
      %select_n3A_59 = arith.select %eq3A_56, %broadcast_in_dim3A_58, %scan3A_32 : vector<8x512xi1>, vector<8x512xf32>
      %eq3A_60 = vector.broadcast %scan3A_28 : i32 to vector<8x512xi32>
      %eq3A_61 = arith.cmpi eq, %iota3A_8, %eq3A_60 : vector<8x512xi32>
      %broadcast_in_dim3A_62 = vector.shape_cast %broadcast_in_dim3A_49 : vector<8x1xf32> to vector<8x1xf32>
      %broadcast_in_dim3A_63 = vector.broadcast %broadcast_in_dim3A_62 : vector<8x1xf32> to vector<8x512xf32>
      %select_n3A_64 = arith.select %eq3A_61, %broadcast_in_dim3A_63, %scan3A_33 : vector<8x512xi1>, vector<8x512xf32>
      %sub3A = vector.broadcast %broadcast_in_dim3A_37 : vector<8x1xf32> to vector<8x4096xf32>
      %sub3A_65 = arith.subf %get3A_1, %sub3A : vector<8x4096xf32>
      %mul3A = arith.mulf %sub3A_65, %sub3A_65 : vector<8x4096xf32>
      %sub3A_66 = vector.broadcast %broadcast_in_dim3A_43 : vector<8x1xf32> to vector<8x4096xf32>
      %sub3A_67 = arith.subf %get3A_4, %sub3A_66 : vector<8x4096xf32>
      %mul3A_68 = arith.mulf %sub3A_67, %sub3A_67 : vector<8x4096xf32>
      %add3A = arith.addf %mul3A, %mul3A_68 : vector<8x4096xf32>
      %sub3A_69 = vector.broadcast %broadcast_in_dim3A_49 : vector<8x1xf32> to vector<8x4096xf32>
      %sub3A_70 = arith.subf %get3A_7, %sub3A_69 : vector<8x4096xf32>
      %mul3A_71 = arith.mulf %sub3A_70, %sub3A_70 : vector<8x4096xf32>
      %add3A_72 = arith.addf %add3A, %mul3A_71 : vector<8x4096xf32>
      %min3A = arith.minimumf %scan3A_29, %add3A_72 : vector<8x4096xf32>
      %argmax3A = tpu.reduce_index %min3A {axis = 1 : i32, kind = #tpu.reduction_kind<arg_max>} : vector<8x4096xf32> -> vector<8xi32>
      %reshape3A = vector.shape_cast %argmax3A : vector<8xi32> to vector<8x1xi32>
      scf.yield %min3A, %reshape3A, %select_n3A_54, %select_n3A_59, %select_n3A_64 : vector<8x4096xf32>, vector<8x1xi32>, vector<8x512xf32>, vector<8x512xf32>, vector<8x512xf32>
    }
    %scan3A_19 = arith.constant 512 : i32
    %swap3A = arith.constant 0 : index
    %swap3A_20 = arith.constant 0 : index
    %swap3A_21 = vector.load %arg4[%swap3A, %swap3A_20] : memref<8x512xf32, #tpu.memory_space<vmem>>, vector<8x512xf32>
    tpu.vector_store %arg4[%swap3A, %swap3A_20], %scan3A_18#2 {strides = array<i32>} : memref<8x512xf32, #tpu.memory_space<vmem>>, vector<8x512xf32>,
    %swap3A_22 = arith.constant 0 : index
    %swap3A_23 = arith.constant 0 : index
    %swap3A_24 = vector.load %arg5[%swap3A_22, %swap3A_23] : memref<8x512xf32, #tpu.memory_space<vmem>>, vector<8x512xf32>
    tpu.vector_store %arg5[%swap3A_22, %swap3A_23], %scan3A_18#3 {strides = array<i32>} : memref<8x512xf32, #tpu.memory_space<vmem>>, vector<8x512xf32>,
    %swap3A_25 = arith.constant 0 : index
    %swap3A_26 = arith.constant 0 : index
    %swap3A_27 = vector.load %arg6[%swap3A_25, %swap3A_26] : memref<8x512xf32, #tpu.memory_space<vmem>>, vector<8x512xf32>
    tpu.vector_store %arg6[%swap3A_25, %swap3A_26], %scan3A_18#4 {strides = array<i32>} : memref<8x512xf32, #tpu.memory_space<vmem>>, vector<8x512xf32>,
    return
  }
}

module attributes {stable_mosaic.version = 14 : i64} {
  func.func @_bq_body(%arg0: i32, %arg1: memref<1x1x4096xf32, #tpu.memory_space<vmem>>, %arg2: memref<1x1x4096xf32, #tpu.memory_space<vmem>>, %arg3: memref<1x1x4096xf32, #tpu.memory_space<vmem>>, %arg4: memref<1x512x1xf32, #tpu.memory_space<vmem>>, %arg5: memref<1x512x1xf32, #tpu.memory_space<vmem>>, %arg6: memref<1x512x1xf32, #tpu.memory_space<vmem>>, %arg7: memref<1x512x32xi32, #tpu.memory_space<vmem>>) attributes {dimension_semantics = [#tpu.dimension_semantics<arbitrary>], iteration_bounds = array<i64: 8>, scalar_prefetch = 0 : i64, scratch_operands = 0 : i64, tpu.core_type = #tpu.core_type<tc>, window_params = [{transform_indices = @transform_0, window_bounds = array<i64: 1, 1, 4096>}, {transform_indices = @transform_1, window_bounds = array<i64: 1, 1, 4096>}, {transform_indices = @transform_2, window_bounds = array<i64: 1, 1, 4096>}, {transform_indices = @transform_3, window_bounds = array<i64: 1, 512, 1>}, {transform_indices = @transform_4, window_bounds = array<i64: 1, 512, 1>}, {transform_indices = @transform_5, window_bounds = array<i64: 1, 512, 1>}, {transform_indices = @transform_6, window_bounds = array<i64: 1, 512, 32>}]} {
    %get3A = arith.constant 0 : index
    %get3A_0 = arith.constant 0 : index
    %get3A_1 = arith.constant 0 : index
    %get3A_2 = vector.load %arg1[%get3A, %get3A_0, %get3A_1] : memref<1x1x4096xf32, #tpu.memory_space<vmem>>, vector<1x1x4096xf32>
    %get3A_3 = vector.shape_cast %get3A_2 : vector<1x1x4096xf32> to vector<1x4096xf32>
    %get3A_4 = arith.constant 0 : index
    %get3A_5 = arith.constant 0 : index
    %get3A_6 = arith.constant 0 : index
    %get3A_7 = vector.load %arg2[%get3A_4, %get3A_5, %get3A_6] : memref<1x1x4096xf32, #tpu.memory_space<vmem>>, vector<1x1x4096xf32>
    %get3A_8 = vector.shape_cast %get3A_7 : vector<1x1x4096xf32> to vector<1x4096xf32>
    %get3A_9 = arith.constant 0 : index
    %get3A_10 = arith.constant 0 : index
    %get3A_11 = arith.constant 0 : index
    %get3A_12 = vector.load %arg3[%get3A_9, %get3A_10, %get3A_11] : memref<1x1x4096xf32, #tpu.memory_space<vmem>>, vector<1x1x4096xf32>
    %get3A_13 = vector.shape_cast %get3A_12 : vector<1x1x4096xf32> to vector<1x4096xf32>
    %get3A_14 = arith.constant 0 : index
    %get3A_15 = arith.constant 0 : index
    %get3A_16 = arith.constant 0 : index
    %get3A_17 = vector.load %arg4[%get3A_14, %get3A_15, %get3A_16] : memref<1x512x1xf32, #tpu.memory_space<vmem>>, vector<1x512x1xf32>
    %get3A_18 = vector.shape_cast %get3A_17 : vector<1x512x1xf32> to vector<512x1xf32>
    %get3A_19 = arith.constant 0 : index
    %get3A_20 = arith.constant 0 : index
    %get3A_21 = arith.constant 0 : index
    %get3A_22 = vector.load %arg5[%get3A_19, %get3A_20, %get3A_21] : memref<1x512x1xf32, #tpu.memory_space<vmem>>, vector<1x512x1xf32>
    %get3A_23 = vector.shape_cast %get3A_22 : vector<1x512x1xf32> to vector<512x1xf32>
    %get3A_24 = arith.constant 0 : index
    %get3A_25 = arith.constant 0 : index
    %get3A_26 = arith.constant 0 : index
    %get3A_27 = vector.load %arg6[%get3A_24, %get3A_25, %get3A_26] : memref<1x512x1xf32, #tpu.memory_space<vmem>>, vector<1x512x1xf32>
    %get3A_28 = vector.shape_cast %get3A_27 : vector<1x512x1xf32> to vector<512x1xf32>
    %concatenate3A = tpu.concatenate %get3A_18, %get3A_23, %get3A_28 in 1 : vector<512x1xf32>, vector<512x1xf32>, vector<512x1xf32> -> vector<512x3xf32>
    %convert_element_type3A = arith.truncf %concatenate3A : vector<512x3xf32> to vector<512x3xbf16>
    %concatenate3A_29 = tpu.concatenate %get3A_3, %get3A_8, %get3A_13 in 0 : vector<1x4096xf32>, vector<1x4096xf32>, vector<1x4096xf32> -> vector<3x4096xf32>
    %convert_element_type3A_30 = arith.truncf %concatenate3A_29 : vector<3x4096xf32> to vector<3x4096xbf16>
    %dot_general3A = arith.constant dense<0.000000e+00> : vector<512x4096xf32>
    %dot_general3A_31 = tpu.matmul %convert_element_type3A, %convert_element_type3A_30, %dot_general3A {dimension_numbers = #tpu.dot_dimension_numbers<[1], [0], [0], [1], [0, 0, 1, 1], [], []>, transpose_lhs_hint = false} : vector<512x3xbf16>, vector<3x4096xbf16>, vector<512x4096xf32> -> vector<512x4096xf32>
    %mul3A = arith.mulf %get3A_18, %get3A_18 : vector<512x1xf32>
    %mul3A_32 = arith.mulf %get3A_23, %get3A_23 : vector<512x1xf32>
    %add3A = arith.addf %mul3A, %mul3A_32 : vector<512x1xf32>
    %mul3A_33 = arith.mulf %get3A_28, %get3A_28 : vector<512x1xf32>
    %add3A_34 = arith.addf %add3A, %mul3A_33 : vector<512x1xf32>
    %mul3A_35 = arith.mulf %get3A_3, %get3A_3 : vector<1x4096xf32>
    %mul3A_36 = arith.mulf %get3A_8, %get3A_8 : vector<1x4096xf32>
    %add3A_37 = arith.addf %mul3A_35, %mul3A_36 : vector<1x4096xf32>
    %mul3A_38 = arith.mulf %get3A_13, %get3A_13 : vector<1x4096xf32>
    %add3A_39 = arith.addf %add3A_37, %mul3A_38 : vector<1x4096xf32>
    %mul3A_40 = arith.constant -2.000000e+00 : f32
    %mul3A_41 = vector.broadcast %mul3A_40 : f32 to vector<512x4096xf32>
    %mul3A_42 = arith.mulf %mul3A_41, %dot_general3A_31 : vector<512x4096xf32>
    %add3A_43 = vector.broadcast %add3A_34 : vector<512x1xf32> to vector<512x4096xf32>
    %add3A_44 = arith.addf %mul3A_42, %add3A_43 : vector<512x4096xf32>
    %add3A_45 = vector.broadcast %add3A_39 : vector<1x4096xf32> to vector<512x4096xf32>
    %add3A_46 = arith.addf %add3A_44, %add3A_45 : vector<512x4096xf32>
    %broadcast_in_dim3A = arith.constant 0 : i32
    %broadcast_in_dim3A_47 = vector.broadcast %broadcast_in_dim3A : i32 to vector<512x256xi32>
    %slice3A = vector.extract_strided_slice %add3A_46 {offsets = [0, 0], sizes = [512, 256], strides = [1, 1]} : vector<512x4096xf32> to vector<512x256xf32>
    %le3A = arith.constant 1.000000e+00 : f32
    %le3A_48 = vector.broadcast %le3A : f32 to vector<512x256xf32>
    %le3A_49 = arith.cmpf ole, %slice3A, %le3A_48 : vector<512x256xf32>
    %jit3A = arith.constant 1 : i32
    %jit3A_50 = arith.constant 0 : i32
    %broadcast_in_dim3A_51 = vector.broadcast %jit3A : i32 to vector<512x256xi32>
    %broadcast_in_dim3A_52 = vector.broadcast %jit3A_50 : i32 to vector<512x256xi32>
    %select_n3A = arith.select %le3A_49, %broadcast_in_dim3A_51, %broadcast_in_dim3A_52 : vector<512x256xi1>, vector<512x256xi32>
    %add3A_53 = arith.addi %broadcast_in_dim3A_47, %select_n3A : vector<512x256xi32>
    %slice3A_54 = vector.extract_strided_slice %add3A_46 {offsets = [0, 256], sizes = [512, 256], strides = [1, 1]} : vector<512x4096xf32> to vector<512x256xf32>
    %le3A_55 = arith.constant 1.000000e+00 : f32
    %le3A_56 = vector.broadcast %le3A_55 : f32 to vector<512x256xf32>
    %le3A_57 = arith.cmpf ole, %slice3A_54, %le3A_56 : vector<512x256xf32>
    %jit3A_58 = arith.constant 2 : i32
    %jit3A_59 = arith.constant 0 : i32
    %broadcast_in_dim3A_60 = vector.broadcast %jit3A_58 : i32 to vector<512x256xi32>
    %broadcast_in_dim3A_61 = vector.broadcast %jit3A_59 : i32 to vector<512x256xi32>
    %select_n3A_62 = arith.select %le3A_57, %broadcast_in_dim3A_60, %broadcast_in_dim3A_61 : vector<512x256xi1>, vector<512x256xi32>
    %add3A_63 = arith.addi %add3A_53, %select_n3A_62 : vector<512x256xi32>
    %slice3A_64 = vector.extract_strided_slice %add3A_46 {offsets = [0, 512], sizes = [512, 256], strides = [1, 1]} : vector<512x4096xf32> to vector<512x256xf32>
    %le3A_65 = arith.constant 1.000000e+00 : f32
    %le3A_66 = vector.broadcast %le3A_65 : f32 to vector<512x256xf32>
    %le3A_67 = arith.cmpf ole, %slice3A_64, %le3A_66 : vector<512x256xf32>
    %jit3A_68 = arith.constant 4 : i32
    %jit3A_69 = arith.constant 0 : i32
    %broadcast_in_dim3A_70 = vector.broadcast %jit3A_68 : i32 to vector<512x256xi32>
    %broadcast_in_dim3A_71 = vector.broadcast %jit3A_69 : i32 to vector<512x256xi32>
    %select_n3A_72 = arith.select %le3A_67, %broadcast_in_dim3A_70, %broadcast_in_dim3A_71 : vector<512x256xi1>, vector<512x256xi32>
    %add3A_73 = arith.addi %add3A_63, %select_n3A_72 : vector<512x256xi32>
    %slice3A_74 = vector.extract_strided_slice %add3A_46 {offsets = [0, 768], sizes = [512, 256], strides = [1, 1]} : vector<512x4096xf32> to vector<512x256xf32>
    %le3A_75 = arith.constant 1.000000e+00 : f32
    %le3A_76 = vector.broadcast %le3A_75 : f32 to vector<512x256xf32>
    %le3A_77 = arith.cmpf ole, %slice3A_74, %le3A_76 : vector<512x256xf32>
    %jit3A_78 = arith.constant 8 : i32
    %jit3A_79 = arith.constant 0 : i32
    %broadcast_in_dim3A_80 = vector.broadcast %jit3A_78 : i32 to vector<512x256xi32>
    %broadcast_in_dim3A_81 = vector.broadcast %jit3A_79 : i32 to vector<512x256xi32>
    %select_n3A_82 = arith.select %le3A_77, %broadcast_in_dim3A_80, %broadcast_in_dim3A_81 : vector<512x256xi1>, vector<512x256xi32>
    %add3A_83 = arith.addi %add3A_73, %select_n3A_82 : vector<512x256xi32>
    %slice3A_84 = vector.extract_strided_slice %add3A_46 {offsets = [0, 1024], sizes = [512, 256], strides = [1, 1]} : vector<512x4096xf32> to vector<512x256xf32>
    %le3A_85 = arith.constant 1.000000e+00 : f32
    %le3A_86 = vector.broadcast %le3A_85 : f32 to vector<512x256xf32>
    %le3A_87 = arith.cmpf ole, %slice3A_84, %le3A_86 : vector<512x256xf32>
    %jit3A_88 = arith.constant 16 : i32
    %jit3A_89 = arith.constant 0 : i32
    %broadcast_in_dim3A_90 = vector.broadcast %jit3A_88 : i32 to vector<512x256xi32>
    %broadcast_in_dim3A_91 = vector.broadcast %jit3A_89 : i32 to vector<512x256xi32>
    %select_n3A_92 = arith.select %le3A_87, %broadcast_in_dim3A_90, %broadcast_in_dim3A_91 : vector<512x256xi1>, vector<512x256xi32>
    %add3A_93 = arith.addi %add3A_83, %select_n3A_92 : vector<512x256xi32>
    %slice3A_94 = vector.extract_strided_slice %add3A_46 {offsets = [0, 1280], sizes = [512, 256], strides = [1, 1]} : vector<512x4096xf32> to vector<512x256xf32>
    %le3A_95 = arith.constant 1.000000e+00 : f32
    %le3A_96 = vector.broadcast %le3A_95 : f32 to vector<512x256xf32>
    %le3A_97 = arith.cmpf ole, %slice3A_94, %le3A_96 : vector<512x256xf32>
    %jit3A_98 = arith.constant 32 : i32
    %jit3A_99 = arith.constant 0 : i32
    %broadcast_in_dim3A_100 = vector.broadcast %jit3A_98 : i32 to vector<512x256xi32>
    %broadcast_in_dim3A_101 = vector.broadcast %jit3A_99 : i32 to vector<512x256xi32>
    %select_n3A_102 = arith.select %le3A_97, %broadcast_in_dim3A_100, %broadcast_in_dim3A_101 : vector<512x256xi1>, vector<512x256xi32>
    %add3A_103 = arith.addi %add3A_93, %select_n3A_102 : vector<512x256xi32>
    %slice3A_104 = vector.extract_strided_slice %add3A_46 {offsets = [0, 1536], sizes = [512, 256], strides = [1, 1]} : vector<512x4096xf32> to vector<512x256xf32>
    %le3A_105 = arith.constant 1.000000e+00 : f32
    %le3A_106 = vector.broadcast %le3A_105 : f32 to vector<512x256xf32>
    %le3A_107 = arith.cmpf ole, %slice3A_104, %le3A_106 : vector<512x256xf32>
    %jit3A_108 = arith.constant 64 : i32
    %jit3A_109 = arith.constant 0 : i32
    %broadcast_in_dim3A_110 = vector.broadcast %jit3A_108 : i32 to vector<512x256xi32>
    %broadcast_in_dim3A_111 = vector.broadcast %jit3A_109 : i32 to vector<512x256xi32>
    %select_n3A_112 = arith.select %le3A_107, %broadcast_in_dim3A_110, %broadcast_in_dim3A_111 : vector<512x256xi1>, vector<512x256xi32>
    %add3A_113 = arith.addi %add3A_103, %select_n3A_112 : vector<512x256xi32>
    %slice3A_114 = vector.extract_strided_slice %add3A_46 {offsets = [0, 1792], sizes = [512, 256], strides = [1, 1]} : vector<512x4096xf32> to vector<512x256xf32>
    %le3A_115 = arith.constant 1.000000e+00 : f32
    %le3A_116 = vector.broadcast %le3A_115 : f32 to vector<512x256xf32>
    %le3A_117 = arith.cmpf ole, %slice3A_114, %le3A_116 : vector<512x256xf32>
    %jit3A_118 = arith.constant 128 : i32
    %jit3A_119 = arith.constant 0 : i32
    %broadcast_in_dim3A_120 = vector.broadcast %jit3A_118 : i32 to vector<512x256xi32>
    %broadcast_in_dim3A_121 = vector.broadcast %jit3A_119 : i32 to vector<512x256xi32>
    %select_n3A_122 = arith.select %le3A_117, %broadcast_in_dim3A_120, %broadcast_in_dim3A_121 : vector<512x256xi1>, vector<512x256xi32>
    %add3A_123 = arith.addi %add3A_113, %select_n3A_122 : vector<512x256xi32>
    %slice3A_124 = vector.extract_strided_slice %add3A_46 {offsets = [0, 2048], sizes = [512, 256], strides = [1, 1]} : vector<512x4096xf32> to vector<512x256xf32>
    %le3A_125 = arith.constant 1.000000e+00 : f32
    %le3A_126 = vector.broadcast %le3A_125 : f32 to vector<512x256xf32>
    %le3A_127 = arith.cmpf ole, %slice3A_124, %le3A_126 : vector<512x256xf32>
    %jit3A_128 = arith.constant 256 : i32
    %jit3A_129 = arith.constant 0 : i32
    %broadcast_in_dim3A_130 = vector.broadcast %jit3A_128 : i32 to vector<512x256xi32>
    %broadcast_in_dim3A_131 = vector.broadcast %jit3A_129 : i32 to vector<512x256xi32>
    %select_n3A_132 = arith.select %le3A_127, %broadcast_in_dim3A_130, %broadcast_in_dim3A_131 : vector<512x256xi1>, vector<512x256xi32>
    %add3A_133 = arith.addi %add3A_123, %select_n3A_132 : vector<512x256xi32>
    %slice3A_134 = vector.extract_strided_slice %add3A_46 {offsets = [0, 2304], sizes = [512, 256], strides = [1, 1]} : vector<512x4096xf32> to vector<512x256xf32>
    %le3A_135 = arith.constant 1.000000e+00 : f32
    %le3A_136 = vector.broadcast %le3A_135 : f32 to vector<512x256xf32>
    %le3A_137 = arith.cmpf ole, %slice3A_134, %le3A_136 : vector<512x256xf32>
    %jit3A_138 = arith.constant 512 : i32
    %jit3A_139 = arith.constant 0 : i32
    %broadcast_in_dim3A_140 = vector.broadcast %jit3A_138 : i32 to vector<512x256xi32>
    %broadcast_in_dim3A_141 = vector.broadcast %jit3A_139 : i32 to vector<512x256xi32>
    %select_n3A_142 = arith.select %le3A_137, %broadcast_in_dim3A_140, %broadcast_in_dim3A_141 : vector<512x256xi1>, vector<512x256xi32>
    %add3A_143 = arith.addi %add3A_133, %select_n3A_142 : vector<512x256xi32>
    %slice3A_144 = vector.extract_strided_slice %add3A_46 {offsets = [0, 2560], sizes = [512, 256], strides = [1, 1]} : vector<512x4096xf32> to vector<512x256xf32>
    %le3A_145 = arith.constant 1.000000e+00 : f32
    %le3A_146 = vector.broadcast %le3A_145 : f32 to vector<512x256xf32>
    %le3A_147 = arith.cmpf ole, %slice3A_144, %le3A_146 : vector<512x256xf32>
    %jit3A_148 = arith.constant 1024 : i32
    %jit3A_149 = arith.constant 0 : i32
    %broadcast_in_dim3A_150 = vector.broadcast %jit3A_148 : i32 to vector<512x256xi32>
    %broadcast_in_dim3A_151 = vector.broadcast %jit3A_149 : i32 to vector<512x256xi32>
    %select_n3A_152 = arith.select %le3A_147, %broadcast_in_dim3A_150, %broadcast_in_dim3A_151 : vector<512x256xi1>, vector<512x256xi32>
    %add3A_153 = arith.addi %add3A_143, %select_n3A_152 : vector<512x256xi32>
    %slice3A_154 = vector.extract_strided_slice %add3A_46 {offsets = [0, 2816], sizes = [512, 256], strides = [1, 1]} : vector<512x4096xf32> to vector<512x256xf32>
    %le3A_155 = arith.constant 1.000000e+00 : f32
    %le3A_156 = vector.broadcast %le3A_155 : f32 to vector<512x256xf32>
    %le3A_157 = arith.cmpf ole, %slice3A_154, %le3A_156 : vector<512x256xf32>
    %jit3A_158 = arith.constant 2048 : i32
    %jit3A_159 = arith.constant 0 : i32
    %broadcast_in_dim3A_160 = vector.broadcast %jit3A_158 : i32 to vector<512x256xi32>
    %broadcast_in_dim3A_161 = vector.broadcast %jit3A_159 : i32 to vector<512x256xi32>
    %select_n3A_162 = arith.select %le3A_157, %broadcast_in_dim3A_160, %broadcast_in_dim3A_161 : vector<512x256xi1>, vector<512x256xi32>
    %add3A_163 = arith.addi %add3A_153, %select_n3A_162 : vector<512x256xi32>
    %slice3A_164 = vector.extract_strided_slice %add3A_46 {offsets = [0, 3072], sizes = [512, 256], strides = [1, 1]} : vector<512x4096xf32> to vector<512x256xf32>
    %le3A_165 = arith.constant 1.000000e+00 : f32
    %le3A_166 = vector.broadcast %le3A_165 : f32 to vector<512x256xf32>
    %le3A_167 = arith.cmpf ole, %slice3A_164, %le3A_166 : vector<512x256xf32>
    %jit3A_168 = arith.constant 4096 : i32
    %jit3A_169 = arith.constant 0 : i32
    %broadcast_in_dim3A_170 = vector.broadcast %jit3A_168 : i32 to vector<512x256xi32>
    %broadcast_in_dim3A_171 = vector.broadcast %jit3A_169 : i32 to vector<512x256xi32>
    %select_n3A_172 = arith.select %le3A_167, %broadcast_in_dim3A_170, %broadcast_in_dim3A_171 : vector<512x256xi1>, vector<512x256xi32>
    %add3A_173 = arith.addi %add3A_163, %select_n3A_172 : vector<512x256xi32>
    %slice3A_174 = vector.extract_strided_slice %add3A_46 {offsets = [0, 3328], sizes = [512, 256], strides = [1, 1]} : vector<512x4096xf32> to vector<512x256xf32>
    %le3A_175 = arith.constant 1.000000e+00 : f32
    %le3A_176 = vector.broadcast %le3A_175 : f32 to vector<512x256xf32>
    %le3A_177 = arith.cmpf ole, %slice3A_174, %le3A_176 : vector<512x256xf32>
    %jit3A_178 = arith.constant 8192 : i32
    %jit3A_179 = arith.constant 0 : i32
    %broadcast_in_dim3A_180 = vector.broadcast %jit3A_178 : i32 to vector<512x256xi32>
    %broadcast_in_dim3A_181 = vector.broadcast %jit3A_179 : i32 to vector<512x256xi32>
    %select_n3A_182 = arith.select %le3A_177, %broadcast_in_dim3A_180, %broadcast_in_dim3A_181 : vector<512x256xi1>, vector<512x256xi32>
    %add3A_183 = arith.addi %add3A_173, %select_n3A_182 : vector<512x256xi32>
    %slice3A_184 = vector.extract_strided_slice %add3A_46 {offsets = [0, 3584], sizes = [512, 256], strides = [1, 1]} : vector<512x4096xf32> to vector<512x256xf32>
    %le3A_185 = arith.constant 1.000000e+00 : f32
    %le3A_186 = vector.broadcast %le3A_185 : f32 to vector<512x256xf32>
    %le3A_187 = arith.cmpf ole, %slice3A_184, %le3A_186 : vector<512x256xf32>
    %jit3A_188 = arith.constant 16384 : i32
    %jit3A_189 = arith.constant 0 : i32
    %broadcast_in_dim3A_190 = vector.broadcast %jit3A_188 : i32 to vector<512x256xi32>
    %broadcast_in_dim3A_191 = vector.broadcast %jit3A_189 : i32 to vector<512x256xi32>
    %select_n3A_192 = arith.select %le3A_187, %broadcast_in_dim3A_190, %broadcast_in_dim3A_191 : vector<512x256xi1>, vector<512x256xi32>
    %add3A_193 = arith.addi %add3A_183, %select_n3A_192 : vector<512x256xi32>
    %slice3A_194 = vector.extract_strided_slice %add3A_46 {offsets = [0, 3840], sizes = [512, 256], strides = [1, 1]} : vector<512x4096xf32> to vector<512x256xf32>
    %le3A_195 = arith.constant 1.000000e+00 : f32
    %le3A_196 = vector.broadcast %le3A_195 : f32 to vector<512x256xf32>
    %le3A_197 = arith.cmpf ole, %slice3A_194, %le3A_196 : vector<512x256xf32>
    %jit3A_198 = arith.constant 32768 : i32
    %jit3A_199 = arith.constant 0 : i32
    %broadcast_in_dim3A_200 = vector.broadcast %jit3A_198 : i32 to vector<512x256xi32>
    %broadcast_in_dim3A_201 = vector.broadcast %jit3A_199 : i32 to vector<512x256xi32>
    %select_n3A_202 = arith.select %le3A_197, %broadcast_in_dim3A_200, %broadcast_in_dim3A_201 : vector<512x256xi1>, vector<512x256xi32>
    %add3A_203 = arith.addi %add3A_193, %select_n3A_202 : vector<512x256xi32>
    %iota3A = tpu.iota {dimensions = array<i32: 1>} : vector<512x256xi32>
    %iota3A_204 = tpu.iota {dimensions = array<i32: 1>} : vector<512x32xi32>
    %ne3A = arith.constant 0 : i32
    %ne3A_205 = vector.broadcast %ne3A : i32 to vector<512x256xi32>
    %ne3A_206 = arith.cmpi ne, %add3A_203, %ne3A_205 : vector<512x256xi32>
    %neg3A = arith.constant 0 : i32
    %neg3A_207 = vector.broadcast %neg3A : i32 to vector<512x256xi32>
    %neg3A_208 = arith.subi %neg3A_207, %add3A_203 : vector<512x256xi32>
    %and3A = arith.andi %add3A_203, %neg3A_208 : vector<512x256xi32>
    %convert_element_type3A_209 = arith.sitofp %and3A : vector<512x256xi32> to vector<512x256xf32>
    %bitcast_convert_type3A = tpu.bitcast %convert_element_type3A_209 : vector<512x256xf32> -> vector<512x256xi32>
    %shift_right_arithmetic3A = arith.constant 23 : i32
    %shift_right_arithmetic3A_210 = vector.broadcast %shift_right_arithmetic3A : i32 to vector<512x256xi32>
    %shift_right_arithmetic3A_211 = arith.shrsi %bitcast_convert_type3A, %shift_right_arithmetic3A_210 : vector<512x256xi32>
    %sub3A = arith.constant 127 : i32
    %sub3A_212 = vector.broadcast %sub3A : i32 to vector<512x256xi32>
    %sub3A_213 = arith.subi %shift_right_arithmetic3A_211, %sub3A_212 : vector<512x256xi32>
    %mul3A_214 = arith.constant 256 : i32
    %mul3A_215 = vector.broadcast %mul3A_214 : i32 to vector<512x256xi32>
    %mul3A_216 = arith.muli %sub3A_213, %mul3A_215 : vector<512x256xi32>
    %add3A_217 = arith.addi %mul3A_216, %iota3A : vector<512x256xi32>
    %jit3A_218 = arith.constant 1073741824 : i32
    %broadcast_in_dim3A_219 = vector.broadcast %jit3A_218 : i32 to vector<512x256xi32>
    %select_n3A_220 = arith.select %ne3A_206, %add3A_217, %broadcast_in_dim3A_219 : vector<512x256xi1>, vector<512x256xi32>
    %broadcast_in_dim3A_221 = arith.constant 0 : i32
    %broadcast_in_dim3A_222 = vector.broadcast %broadcast_in_dim3A_221 : i32 to vector<512x1xi32>
    %broadcast_in_dim3A_223 = arith.constant 0 : i32
    %broadcast_in_dim3A_224 = vector.broadcast %broadcast_in_dim3A_223 : i32 to vector<512x32xi32>
    %scan3A = arith.constant 1073741824 : i32
    %scan3A_225 = arith.constant 0 : i32
    %scan3A_226 = arith.constant 32 : i32
    %scan3A_227 = arith.addi %scan3A_225, %scan3A_226 : i32
    %scan3A_228 = arith.constant 1 : i32
    %scan3A_229:4 = scf.for %scan3A_236 = %scan3A_225 to %scan3A_227 step %scan3A_228 iter_args(%scan3A_237 = %add3A_203, %scan3A_238 = %select_n3A_220, %scan3A_239 = %broadcast_in_dim3A_222, %scan3A_240 = %broadcast_in_dim3A_224) -> (vector<512x256xi32>, vector<512x256xi32>, vector<512x1xi32>, vector<512x32xi32>)  : i32 {
      %reduce_min3A = arith.constant dense<2147483647> : vector<512xi32>
      %reduce_min3A_241 = vector.multi_reduction <minsi>, %scan3A_238, %reduce_min3A [1] : vector<512x256xi32> to vector<512xi32>
      %broadcast_in_dim3A_242 = vector.shape_cast %reduce_min3A_241 : vector<512xi32> to vector<512x1xi32>
      %lt3A = vector.broadcast %scan3A : i32 to vector<512x1xi32>
      %lt3A_243 = arith.cmpi slt, %broadcast_in_dim3A_242, %lt3A : vector<512x1xi32>
      %eq3A = arith.constant 0 : i32
      %eq3A_244 = arith.cmpi eq, %scan3A_236, %eq3A : i32
      %select_n3A_245 = arith.select %eq3A_244, %broadcast_in_dim3A_242, %scan3A_239 : vector<512x1xi32>
      %select_n3A_246 = arith.select %lt3A_243, %broadcast_in_dim3A_242, %select_n3A_245 : vector<512x1xi1>, vector<512x1xi32>
      %eq3A_247 = vector.broadcast %scan3A_236 : i32 to vector<512x32xi32>
      %eq3A_248 = arith.cmpi eq, %iota3A_204, %eq3A_247 : vector<512x32xi32>
      %mul3A_249 = arith.constant 4096 : i32
      %mul3A_250 = arith.muli %arg0, %mul3A_249 : i32
      %add3A_251 = vector.broadcast %mul3A_250 : i32 to vector<512x1xi32>
      %add3A_252 = arith.addi %select_n3A_246, %add3A_251 : vector<512x1xi32>
      %broadcast_in_dim3A_253 = vector.shape_cast %add3A_252 : vector<512x1xi32> to vector<512x1xi32>
      %broadcast_in_dim3A_254 = vector.broadcast %broadcast_in_dim3A_253 : vector<512x1xi32> to vector<512x32xi32>
      %select_n3A_255 = arith.select %eq3A_248, %broadcast_in_dim3A_254, %scan3A_240 : vector<512x32xi1>, vector<512x32xi32>
      %and3A_256 = arith.constant 255 : i32
      %and3A_257 = vector.broadcast %and3A_256 : i32 to vector<512x1xi32>
      %and3A_258 = arith.andi %broadcast_in_dim3A_242, %and3A_257 : vector<512x1xi32>
      %shift_right_arithmetic3A_259 = arith.constant 8 : i32
      %shift_right_arithmetic3A_260 = vector.broadcast %shift_right_arithmetic3A_259 : i32 to vector<512x1xi32>
      %shift_right_arithmetic3A_261 = arith.shrsi %broadcast_in_dim3A_242, %shift_right_arithmetic3A_260 : vector<512x1xi32>
      %and3A_262 = arith.constant 15 : i32
      %and3A_263 = vector.broadcast %and3A_262 : i32 to vector<512x1xi32>
      %and3A_264 = arith.andi %shift_right_arithmetic3A_261, %and3A_263 : vector<512x1xi32>
      %eq3A_265 = vector.broadcast %and3A_258 : vector<512x1xi32> to vector<512x256xi32>
      %eq3A_266 = arith.cmpi eq, %iota3A, %eq3A_265 : vector<512x256xi32>
      %jit3A_267 = arith.constant 0 : i32
      %broadcast_in_dim3A_268 = vector.broadcast %jit3A_267 : i32 to vector<512x256xi32>
      %select_n3A_269 = arith.select %eq3A_266, %scan3A_237, %broadcast_in_dim3A_268 : vector<512x256xi1>, vector<512x256xi32>
      %reduce_sum3A = arith.constant dense<0> : vector<512xi32>
      %reduce_sum3A_270 = vector.multi_reduction <add>, %select_n3A_269, %reduce_sum3A [1] : vector<512x256xi32> to vector<512xi32>
      %broadcast_in_dim3A_271 = vector.shape_cast %reduce_sum3A_270 : vector<512xi32> to vector<512x1xi32>
      %shift_left3A = arith.constant 1 : i32
      %shift_left3A_272 = vector.broadcast %shift_left3A : i32 to vector<512x1xi32>
      %shift_left3A_273 = arith.shli %shift_left3A_272, %and3A_264 : vector<512x1xi32>
      %sub3A_274 = arith.subi %broadcast_in_dim3A_271, %shift_left3A_273 : vector<512x1xi32>
      %eq3A_275 = vector.broadcast %and3A_258 : vector<512x1xi32> to vector<512x256xi32>
      %eq3A_276 = arith.cmpi eq, %iota3A, %eq3A_275 : vector<512x256xi32>
      %and3A_277 = vector.broadcast %lt3A_243 : vector<512x1xi1> to vector<512x256xi1>
      %and3A_278 = arith.andi %and3A_277, %eq3A_276 : vector<512x256xi1>
      %broadcast_in_dim3A_279 = vector.shape_cast %sub3A_274 : vector<512x1xi32> to vector<512x1xi32>
      %broadcast_in_dim3A_280 = vector.broadcast %broadcast_in_dim3A_279 : vector<512x1xi32> to vector<512x256xi32>
      %select_n3A_281 = arith.select %and3A_278, %broadcast_in_dim3A_280, %scan3A_237 : vector<512x256xi1>, vector<512x256xi32>
      %ne3A_282 = arith.constant 0 : i32
      %ne3A_283 = vector.broadcast %ne3A_282 : i32 to vector<512x1xi32>
      %ne3A_284 = arith.cmpi ne, %sub3A_274, %ne3A_283 : vector<512x1xi32>
      %neg3A_285 = arith.constant 0 : i32
      %neg3A_286 = vector.broadcast %neg3A_285 : i32 to vector<512x1xi32>
      %neg3A_287 = arith.subi %neg3A_286, %sub3A_274 : vector<512x1xi32>
      %and3A_288 = arith.andi %sub3A_274, %neg3A_287 : vector<512x1xi32>
      %convert_element_type3A_289 = arith.sitofp %and3A_288 : vector<512x1xi32> to vector<512x1xf32>
      %bitcast_convert_type3A_290 = tpu.bitcast %convert_element_type3A_289 : vector<512x1xf32> -> vector<512x1xi32>
      %shift_right_arithmetic3A_291 = arith.constant 23 : i32
      %shift_right_arithmetic3A_292 = vector.broadcast %shift_right_arithmetic3A_291 : i32 to vector<512x1xi32>
      %shift_right_arithmetic3A_293 = arith.shrsi %bitcast_convert_type3A_290, %shift_right_arithmetic3A_292 : vector<512x1xi32>
      %sub3A_294 = arith.constant 127 : i32
      %sub3A_295 = vector.broadcast %sub3A_294 : i32 to vector<512x1xi32>
      %sub3A_296 = arith.subi %shift_right_arithmetic3A_293, %sub3A_295 : vector<512x1xi32>
      %mul3A_297 = arith.constant 256 : i32
      %mul3A_298 = vector.broadcast %mul3A_297 : i32 to vector<512x1xi32>
      %mul3A_299 = arith.muli %sub3A_296, %mul3A_298 : vector<512x1xi32>
      %add3A_300 = arith.addi %mul3A_299, %and3A_258 : vector<512x1xi32>
      %broadcast_in_dim3A_301 = vector.broadcast %scan3A : i32 to vector<512x1xi32>
      %select_n3A_302 = arith.select %ne3A_284, %add3A_300, %broadcast_in_dim3A_301 : vector<512x1xi1>, vector<512x1xi32>
      %broadcast_in_dim3A_303 = vector.shape_cast %select_n3A_302 : vector<512x1xi32> to vector<512x1xi32>
      %broadcast_in_dim3A_304 = vector.broadcast %broadcast_in_dim3A_303 : vector<512x1xi32> to vector<512x256xi32>
      %select_n3A_305 = arith.select %and3A_278, %broadcast_in_dim3A_304, %scan3A_238 : vector<512x256xi1>, vector<512x256xi32>
      scf.yield %select_n3A_281, %select_n3A_305, %select_n3A_245, %select_n3A_255 : vector<512x256xi32>, vector<512x256xi32>, vector<512x1xi32>, vector<512x32xi32>
    }
    %scan3A_230 = arith.constant 32 : i32
    %swap3A = arith.constant 0 : index
    %swap3A_231 = arith.constant 0 : index
    %swap3A_232 = arith.constant 0 : index
    %swap3A_233 = vector.load %arg7[%swap3A, %swap3A_231, %swap3A_232] : memref<1x512x32xi32, #tpu.memory_space<vmem>>, vector<1x512x32xi32>
    %swap3A_234 = vector.shape_cast %swap3A_233 : vector<1x512x32xi32> to vector<512x32xi32>
    %swap3A_235 = vector.shape_cast %scan3A_229#3 : vector<512x32xi32> to vector<1x512x32xi32>
    tpu.vector_store %arg7[%swap3A, %swap3A_231, %swap3A_232], %swap3A_235 {strides = array<i32>} : memref<1x512x32xi32, #tpu.memory_space<vmem>>, vector<1x512x32xi32>,
    return
  }
  func.func @transform_0(%arg0: i32) -> (i32, i32, i32) {
    %c0_i32 = arith.constant 0 : i32
    %c0_i32_0 = arith.constant 0 : i32
    %c0_i32_1 = arith.constant 0 : i32
    return %arg0, %c0_i32, %c0_i32_0 : i32, i32, i32
  }
  func.func @transform_1(%arg0: i32) -> (i32, i32, i32) {
    %c0_i32 = arith.constant 0 : i32
    %c0_i32_0 = arith.constant 0 : i32
    %c0_i32_1 = arith.constant 0 : i32
    return %arg0, %c0_i32, %c0_i32_0 : i32, i32, i32
  }
  func.func @transform_2(%arg0: i32) -> (i32, i32, i32) {
    %c0_i32 = arith.constant 0 : i32
    %c0_i32_0 = arith.constant 0 : i32
    %c0_i32_1 = arith.constant 0 : i32
    return %arg0, %c0_i32, %c0_i32_0 : i32, i32, i32
  }
  func.func @transform_3(%arg0: i32) -> (i32, i32, i32) {
    %c0_i32 = arith.constant 0 : i32
    %c0_i32_0 = arith.constant 0 : i32
    %c0_i32_1 = arith.constant 0 : i32
    return %arg0, %c0_i32, %c0_i32_0 : i32, i32, i32
  }
  func.func @transform_4(%arg0: i32) -> (i32, i32, i32) {
    %c0_i32 = arith.constant 0 : i32
    %c0_i32_0 = arith.constant 0 : i32
    %c0_i32_1 = arith.constant 0 : i32
    return %arg0, %c0_i32, %c0_i32_0 : i32, i32, i32
  }
  func.func @transform_5(%arg0: i32) -> (i32, i32, i32) {
    %c0_i32 = arith.constant 0 : i32
    %c0_i32_0 = arith.constant 0 : i32
    %c0_i32_1 = arith.constant 0 : i32
    return %arg0, %c0_i32, %c0_i32_0 : i32, i32, i32
  }
  func.func @transform_6(%arg0: i32) -> (i32, i32, i32) {
    %c0_i32 = arith.constant 0 : i32
    %c0_i32_0 = arith.constant 0 : i32
    %c0_i32_1 = arith.constant 0 : i32
    return %arg0, %c0_i32, %c0_i32_0 : i32, i32, i32
  }
}

module attributes {stable_mosaic.version = 14 : i64} {
  func.func @_layer0_body(%arg0: memref<8x131072xf32, #tpu.memory_space<vmem>>, %arg1: memref<8x131072xf32, #tpu.memory_space<vmem>>, %arg2: memref<32x8xf32, #tpu.memory_space<vmem>>, %arg3: memref<32x1xf32, #tpu.memory_space<vmem>>, %arg4: memref<32x1xf32, #tpu.memory_space<vmem>>, %arg5: memref<32x1xf32, #tpu.memory_space<vmem>>, %arg6: memref<32x131072xf32, #tpu.memory_space<vmem>>, %arg7: memref<32x1xf32, #tpu.memory_space<vmem>>, %arg8: memref<32x32xf32, #tpu.memory_space<vmem>>) attributes {dimension_semantics = [], scalar_prefetch = 0 : i64, scratch_operands = 0 : i64, tpu.core_type = #tpu.core_type<tc>} {
    %get3A = arith.constant 0 : index
    %get3A_0 = arith.constant 0 : index
    %get3A_1 = vector.load %arg2[%get3A, %get3A_0] : memref<32x8xf32, #tpu.memory_space<vmem>>, vector<32x8xf32>
    %broadcast_in_dim3A = arith.constant 0.000000e+00 : f32
    %broadcast_in_dim3A_2 = vector.broadcast %broadcast_in_dim3A : f32 to vector<8x1xf32>
    %broadcast_in_dim3A_3 = arith.constant 0.000000e+00 : f32
    %broadcast_in_dim3A_4 = vector.broadcast %broadcast_in_dim3A_3 : f32 to vector<8x8xf32>
    %scan3A = arith.constant 0 : i32
    %scan3A_5 = arith.constant 16 : i32
    %scan3A_6 = arith.addi %scan3A, %scan3A_5 : i32
    %scan3A_7 = arith.constant 1 : i32
    %scan3A_8:2 = scf.for %scan3A_60 = %scan3A to %scan3A_6 step %scan3A_7 iter_args(%scan3A_61 = %broadcast_in_dim3A_2, %scan3A_62 = %broadcast_in_dim3A_4) -> (vector<8x1xf32>, vector<8x8xf32>)  : i32 {
      %mul3A_63 = arith.constant 8192 : i32
      %mul3A_64 = arith.muli %scan3A_60, %mul3A_63 : i32
      %get3A_65 = arith.constant 0 : index
      %get3A_66 = arith.index_cast %mul3A_64 : i32 to index
      %get3A_67 = vector.load %arg0[%get3A_65, %get3A_66] : memref<8x131072xf32, #tpu.memory_space<vmem>>, vector<8x8192xf32>
      %mul3A_68 = arith.constant 8192 : i32
      %mul3A_69 = arith.muli %scan3A_60, %mul3A_68 : i32
      %get3A_70 = arith.constant 0 : index
      %get3A_71 = arith.index_cast %mul3A_69 : i32 to index
      %get3A_72 = vector.load %arg1[%get3A_70, %get3A_71] : memref<8x131072xf32, #tpu.memory_space<vmem>>, vector<8x8192xf32>
      %sub3A_73 = arith.subf %get3A_67, %get3A_72 : vector<8x8192xf32>
      %reduce_sum3A_74 = arith.constant dense<0.000000e+00> : vector<8xf32>
      %reduce_sum3A_75 = vector.multi_reduction <add>, %sub3A_73, %reduce_sum3A_74 [1] : vector<8x8192xf32> to vector<8xf32>
      %broadcast_in_dim3A_76 = vector.shape_cast %reduce_sum3A_75 : vector<8xf32> to vector<8x1xf32>
      %add3A_77 = arith.addf %scan3A_61, %broadcast_in_dim3A_76 : vector<8x1xf32>
      %dot_general3A_78 = arith.constant dense<0.000000e+00> : vector<8x8xf32>
      %dot_general3A_79 = tpu.matmul %sub3A_73, %sub3A_73, %dot_general3A_78 {dimension_numbers = #tpu.dot_dimension_numbers<[1], [1], [0], [0], [0, 0, 1, 0], [], []>, precision = #tpu.contract_precision<fp32>, transpose_lhs_hint = false} : vector<8x8192xf32>, vector<8x8192xf32>, vector<8x8xf32> -> vector<8x8xf32>
      %add3A_80 = arith.addf %scan3A_62, %dot_general3A_79 : vector<8x8xf32>
      scf.yield %add3A_77, %add3A_80 : vector<8x1xf32>, vector<8x8xf32>
    }
    %scan3A_9 = arith.constant 16 : i32
    %get3A_10 = arith.constant 0 : index
    %get3A_11 = arith.constant 0 : index
    %get3A_12 = vector.load %arg3[%get3A_10, %get3A_11] : memref<32x1xf32, #tpu.memory_space<vmem>>, vector<32x1xf32>
    %get3A_13 = arith.constant 0 : index
    %get3A_14 = arith.constant 0 : index
    %get3A_15 = vector.load %arg4[%get3A_13, %get3A_14] : memref<32x1xf32, #tpu.memory_space<vmem>>, vector<32x1xf32>
    %get3A_16 = arith.constant 0 : index
    %get3A_17 = arith.constant 0 : index
    %get3A_18 = vector.load %arg5[%get3A_16, %get3A_17] : memref<32x1xf32, #tpu.memory_space<vmem>>, vector<32x1xf32>
    %mul3A = arith.constant 7.62939453E-6 : f32
    %mul3A_19 = vector.broadcast %mul3A : f32 to vector<8x1xf32>
    %mul3A_20 = arith.mulf %scan3A_8#0, %mul3A_19 : vector<8x1xf32>
    %dot_general3A = arith.constant dense<0.000000e+00> : vector<32x1xf32>
    %dot_general3A_21 = tpu.matmul %get3A_1, %mul3A_20, %dot_general3A {dimension_numbers = #tpu.dot_dimension_numbers<[1], [0], [0], [1], [0, 0, 1, 1], [], []>, precision = #tpu.contract_precision<fp32>, transpose_lhs_hint = false} : vector<32x8xf32>, vector<8x1xf32>, vector<32x1xf32> -> vector<32x1xf32>
    %add3A = arith.addf %dot_general3A_21, %get3A_12 : vector<32x1xf32>
    %dot_general3A_22 = arith.constant dense<0.000000e+00> : vector<32x8xf32>
    %dot_general3A_23 = tpu.matmul %get3A_1, %scan3A_8#1, %dot_general3A_22 {dimension_numbers = #tpu.dot_dimension_numbers<[1], [0], [0], [1], [0, 0, 1, 1], [], []>, precision = #tpu.contract_precision<fp32>, transpose_lhs_hint = false} : vector<32x8xf32>, vector<8x8xf32>, vector<32x8xf32> -> vector<32x8xf32>
    %mul3A_24 = arith.mulf %get3A_1, %dot_general3A_23 : vector<32x8xf32>
    %reduce_sum3A = arith.constant dense<0.000000e+00> : vector<32xf32>
    %reduce_sum3A_25 = vector.multi_reduction <add>, %mul3A_24, %reduce_sum3A [1] : vector<32x8xf32> to vector<32xf32>
    %broadcast_in_dim3A_26 = vector.shape_cast %reduce_sum3A_25 : vector<32xf32> to vector<32x1xf32>
    %mul3A_27 = arith.constant 7.62939453E-6 : f32
    %mul3A_28 = vector.broadcast %mul3A_27 : f32 to vector<32x1xf32>
    %mul3A_29 = arith.mulf %broadcast_in_dim3A_26, %mul3A_28 : vector<32x1xf32>
    %mul3A_30 = arith.constant 2.000000e+00 : f32
    %mul3A_31 = vector.broadcast %mul3A_30 : f32 to vector<32x1xf32>
    %mul3A_32 = arith.mulf %mul3A_31, %get3A_12 : vector<32x1xf32>
    %mul3A_33 = arith.mulf %mul3A_32, %dot_general3A_21 : vector<32x1xf32>
    %add3A_34 = arith.addf %mul3A_29, %mul3A_33 : vector<32x1xf32>
    %mul3A_35 = arith.mulf %get3A_12, %get3A_12 : vector<32x1xf32>
    %add3A_36 = arith.addf %add3A_34, %mul3A_35 : vector<32x1xf32>
    %mul3A_37 = arith.mulf %add3A, %add3A : vector<32x1xf32>
    %sub3A = arith.subf %add3A_36, %mul3A_37 : vector<32x1xf32>
    %add3A_38 = arith.constant 9.99999974E-6 : f32
    %add3A_39 = vector.broadcast %add3A_38 : f32 to vector<32x1xf32>
    %add3A_40 = arith.addf %sub3A, %add3A_39 : vector<32x1xf32>
    %rsqrt3A = math.rsqrt %add3A_40 : vector<32x1xf32>
    %mul3A_41 = arith.mulf %get3A_15, %rsqrt3A : vector<32x1xf32>
    %sub3A_42 = arith.subf %get3A_12, %add3A : vector<32x1xf32>
    %mul3A_43 = arith.mulf %mul3A_41, %sub3A_42 : vector<32x1xf32>
    %add3A_44 = arith.addf %mul3A_43, %get3A_18 : vector<32x1xf32>
    %broadcast_in_dim3A_45 = arith.constant 0.000000e+00 : f32
    %broadcast_in_dim3A_46 = vector.broadcast %broadcast_in_dim3A_45 : f32 to vector<32x1xf32>
    %broadcast_in_dim3A_47 = arith.constant 0.000000e+00 : f32
    %broadcast_in_dim3A_48 = vector.broadcast %broadcast_in_dim3A_47 : f32 to vector<32x32xf32>
    %scan3A_49 = arith.constant 0 : i32
    %scan3A_50 = arith.constant 16 : i32
    %scan3A_51 = arith.addi %scan3A_49, %scan3A_50 : i32
    %scan3A_52 = arith.constant 1 : i32
    %scan3A_53:2 = scf.for %scan3A_60 = %scan3A_49 to %scan3A_51 step %scan3A_52 iter_args(%scan3A_61 = %broadcast_in_dim3A_46, %scan3A_62 = %broadcast_in_dim3A_48) -> (vector<32x1xf32>, vector<32x32xf32>)  : i32 {
      %mul3A_63 = arith.constant 8192 : i32
      %mul3A_64 = arith.muli %scan3A_60, %mul3A_63 : i32
      %get3A_65 = arith.constant 0 : index
      %get3A_66 = arith.index_cast %mul3A_64 : i32 to index
      %get3A_67 = vector.load %arg0[%get3A_65, %get3A_66] : memref<8x131072xf32, #tpu.memory_space<vmem>>, vector<8x8192xf32>
      %mul3A_68 = arith.constant 8192 : i32
      %mul3A_69 = arith.muli %scan3A_60, %mul3A_68 : i32
      %get3A_70 = arith.constant 0 : index
      %get3A_71 = arith.index_cast %mul3A_69 : i32 to index
      %get3A_72 = vector.load %arg1[%get3A_70, %get3A_71] : memref<8x131072xf32, #tpu.memory_space<vmem>>, vector<8x8192xf32>
      %sub3A_73 = arith.subf %get3A_67, %get3A_72 : vector<8x8192xf32>
      %dot_general3A_74 = arith.constant dense<0.000000e+00> : vector<32x8192xf32>
      %dot_general3A_75 = tpu.matmul %get3A_1, %sub3A_73, %dot_general3A_74 {dimension_numbers = #tpu.dot_dimension_numbers<[1], [0], [0], [1], [0, 0, 1, 1], [], []>, precision = #tpu.contract_precision<fp32>, transpose_lhs_hint = false} : vector<32x8xf32>, vector<8x8192xf32>, vector<32x8192xf32> -> vector<32x8192xf32>
      %mul3A_76 = vector.broadcast %mul3A_41 : vector<32x1xf32> to vector<32x8192xf32>
      %mul3A_77 = arith.mulf %dot_general3A_75, %mul3A_76 : vector<32x8192xf32>
      %add3A_78 = vector.broadcast %add3A_44 : vector<32x1xf32> to vector<32x8192xf32>
      %add3A_79 = arith.addf %mul3A_77, %add3A_78 : vector<32x8192xf32>
      %max3A = arith.constant 0.000000e+00 : f32
      %max3A_80 = vector.broadcast %max3A : f32 to vector<32x8192xf32>
      %max3A_81 = arith.maximumf %add3A_79, %max3A_80 : vector<32x8192xf32>
      %mul3A_82 = arith.constant 8192 : i32
      %mul3A_83 = arith.muli %scan3A_60, %mul3A_82 : i32
      %swap3A_84 = arith.constant 0 : index
      %swap3A_85 = arith.index_cast %mul3A_83 : i32 to index
      %swap3A_86 = vector.load %arg6[%swap3A_84, %swap3A_85] : memref<32x131072xf32, #tpu.memory_space<vmem>>, vector<32x8192xf32>
      tpu.vector_store %arg6[%swap3A_84, %swap3A_85], %max3A_81 {strides = array<i32>} : memref<32x131072xf32, #tpu.memory_space<vmem>>, vector<32x8192xf32>,
      %reduce_sum3A_87 = arith.constant dense<0.000000e+00> : vector<32xf32>
      %reduce_sum3A_88 = vector.multi_reduction <add>, %max3A_81, %reduce_sum3A_87 [1] : vector<32x8192xf32> to vector<32xf32>
      %broadcast_in_dim3A_89 = vector.shape_cast %reduce_sum3A_88 : vector<32xf32> to vector<32x1xf32>
      %add3A_90 = arith.addf %scan3A_61, %broadcast_in_dim3A_89 : vector<32x1xf32>
      %dot_general3A_91 = arith.constant dense<0.000000e+00> : vector<32x32xf32>
      %dot_general3A_92 = tpu.matmul %max3A_81, %max3A_81, %dot_general3A_91 {dimension_numbers = #tpu.dot_dimension_numbers<[1], [1], [0], [0], [0, 0, 1, 0], [], []>, precision = #tpu.contract_precision<fp32>, transpose_lhs_hint = false} : vector<32x8192xf32>, vector<32x8192xf32>, vector<32x32xf32> -> vector<32x32xf32>
      %add3A_93 = arith.addf %scan3A_62, %dot_general3A_92 : vector<32x32xf32>
      scf.yield %add3A_90, %add3A_93 : vector<32x1xf32>, vector<32x32xf32>
    }
    %scan3A_54 = arith.constant 16 : i32
    %swap3A = arith.constant 0 : index
    %swap3A_55 = arith.constant 0 : index
    %swap3A_56 = vector.load %arg7[%swap3A, %swap3A_55] : memref<32x1xf32, #tpu.memory_space<vmem>>, vector<32x1xf32>
    tpu.vector_store %arg7[%swap3A, %swap3A_55], %scan3A_53#0 {strides = array<i32>} : memref<32x1xf32, #tpu.memory_space<vmem>>, vector<32x1xf32>,
    %swap3A_57 = arith.constant 0 : index
    %swap3A_58 = arith.constant 0 : index
    %swap3A_59 = vector.load %arg8[%swap3A_57, %swap3A_58] : memref<32x32xf32, #tpu.memory_space<vmem>>, vector<32x32xf32>
    tpu.vector_store %arg8[%swap3A_57, %swap3A_58], %scan3A_53#1 {strides = array<i32>} : memref<32x32xf32, #tpu.memory_space<vmem>>, vector<32x32xf32>,
    return
  }
}

module attributes {stable_mosaic.version = 14 : i64} {
  func.func @_layer1_body(%arg0: memref<32x131072xf32, #tpu.memory_space<vmem>>, %arg1: memref<32x1xf32, #tpu.memory_space<vmem>>, %arg2: memref<32x32xf32, #tpu.memory_space<vmem>>, %arg3: memref<32x32xf32, #tpu.memory_space<vmem>>, %arg4: memref<32x1xf32, #tpu.memory_space<vmem>>, %arg5: memref<32x1xf32, #tpu.memory_space<vmem>>, %arg6: memref<32x1xf32, #tpu.memory_space<vmem>>, %arg7: memref<32x131072xf32, #tpu.memory_space<vmem>>, %arg8: memref<32x1xf32, #tpu.memory_space<vmem>>, %arg9: memref<32x32xf32, #tpu.memory_space<vmem>>) attributes {dimension_semantics = [], scalar_prefetch = 0 : i64, scratch_operands = 0 : i64, tpu.core_type = #tpu.core_type<tc>} {
    %get3A = arith.constant 0 : index
    %get3A_0 = arith.constant 0 : index
    %get3A_1 = vector.load %arg3[%get3A, %get3A_0] : memref<32x32xf32, #tpu.memory_space<vmem>>, vector<32x32xf32>
    %get3A_2 = arith.constant 0 : index
    %get3A_3 = arith.constant 0 : index
    %get3A_4 = vector.load %arg1[%get3A_2, %get3A_3] : memref<32x1xf32, #tpu.memory_space<vmem>>, vector<32x1xf32>
    %get3A_5 = arith.constant 0 : index
    %get3A_6 = arith.constant 0 : index
    %get3A_7 = vector.load %arg2[%get3A_5, %get3A_6] : memref<32x32xf32, #tpu.memory_space<vmem>>, vector<32x32xf32>
    %get3A_8 = arith.constant 0 : index
    %get3A_9 = arith.constant 0 : index
    %get3A_10 = vector.load %arg4[%get3A_8, %get3A_9] : memref<32x1xf32, #tpu.memory_space<vmem>>, vector<32x1xf32>
    %get3A_11 = arith.constant 0 : index
    %get3A_12 = arith.constant 0 : index
    %get3A_13 = vector.load %arg5[%get3A_11, %get3A_12] : memref<32x1xf32, #tpu.memory_space<vmem>>, vector<32x1xf32>
    %get3A_14 = arith.constant 0 : index
    %get3A_15 = arith.constant 0 : index
    %get3A_16 = vector.load %arg6[%get3A_14, %get3A_15] : memref<32x1xf32, #tpu.memory_space<vmem>>, vector<32x1xf32>
    %mul3A = arith.constant 7.62939453E-6 : f32
    %mul3A_17 = vector.broadcast %mul3A : f32 to vector<32x1xf32>
    %mul3A_18 = arith.mulf %get3A_4, %mul3A_17 : vector<32x1xf32>
    %dot_general3A = arith.constant dense<0.000000e+00> : vector<32x1xf32>
    %dot_general3A_19 = tpu.matmul %get3A_1, %mul3A_18, %dot_general3A {dimension_numbers = #tpu.dot_dimension_numbers<[1], [0], [0], [1], [0, 0, 1, 1], [], []>, precision = #tpu.contract_precision<fp32>, transpose_lhs_hint = false} : vector<32x32xf32>, vector<32x1xf32>, vector<32x1xf32> -> vector<32x1xf32>
    %add3A = arith.addf %dot_general3A_19, %get3A_10 : vector<32x1xf32>
    %dot_general3A_20 = arith.constant dense<0.000000e+00> : vector<32x32xf32>
    %dot_general3A_21 = tpu.matmul %get3A_1, %get3A_7, %dot_general3A_20 {dimension_numbers = #tpu.dot_dimension_numbers<[1], [0], [0], [1], [0, 0, 1, 1], [], []>, precision = #tpu.contract_precision<fp32>, transpose_lhs_hint = false} : vector<32x32xf32>, vector<32x32xf32>, vector<32x32xf32> -> vector<32x32xf32>
    %mul3A_22 = arith.mulf %get3A_1, %dot_general3A_21 : vector<32x32xf32>
    %reduce_sum3A = arith.constant dense<0.000000e+00> : vector<32xf32>
    %reduce_sum3A_23 = vector.multi_reduction <add>, %mul3A_22, %reduce_sum3A [1] : vector<32x32xf32> to vector<32xf32>
    %broadcast_in_dim3A = vector.shape_cast %reduce_sum3A_23 : vector<32xf32> to vector<32x1xf32>
    %mul3A_24 = arith.constant 7.62939453E-6 : f32
    %mul3A_25 = vector.broadcast %mul3A_24 : f32 to vector<32x1xf32>
    %mul3A_26 = arith.mulf %broadcast_in_dim3A, %mul3A_25 : vector<32x1xf32>
    %mul3A_27 = arith.constant 2.000000e+00 : f32
    %mul3A_28 = vector.broadcast %mul3A_27 : f32 to vector<32x1xf32>
    %mul3A_29 = arith.mulf %mul3A_28, %get3A_10 : vector<32x1xf32>
    %mul3A_30 = arith.mulf %mul3A_29, %dot_general3A_19 : vector<32x1xf32>
    %add3A_31 = arith.addf %mul3A_26, %mul3A_30 : vector<32x1xf32>
    %mul3A_32 = arith.mulf %get3A_10, %get3A_10 : vector<32x1xf32>
    %add3A_33 = arith.addf %add3A_31, %mul3A_32 : vector<32x1xf32>
    %mul3A_34 = arith.mulf %add3A, %add3A : vector<32x1xf32>
    %sub3A = arith.subf %add3A_33, %mul3A_34 : vector<32x1xf32>
    %add3A_35 = arith.constant 9.99999974E-6 : f32
    %add3A_36 = vector.broadcast %add3A_35 : f32 to vector<32x1xf32>
    %add3A_37 = arith.addf %sub3A, %add3A_36 : vector<32x1xf32>
    %rsqrt3A = math.rsqrt %add3A_37 : vector<32x1xf32>
    %mul3A_38 = arith.mulf %get3A_13, %rsqrt3A : vector<32x1xf32>
    %sub3A_39 = arith.subf %get3A_10, %add3A : vector<32x1xf32>
    %mul3A_40 = arith.mulf %mul3A_38, %sub3A_39 : vector<32x1xf32>
    %add3A_41 = arith.addf %mul3A_40, %get3A_16 : vector<32x1xf32>
    %broadcast_in_dim3A_42 = arith.constant 0.000000e+00 : f32
    %broadcast_in_dim3A_43 = vector.broadcast %broadcast_in_dim3A_42 : f32 to vector<32x1xf32>
    %broadcast_in_dim3A_44 = arith.constant 0.000000e+00 : f32
    %broadcast_in_dim3A_45 = vector.broadcast %broadcast_in_dim3A_44 : f32 to vector<32x32xf32>
    %scan3A = arith.constant 0 : i32
    %scan3A_46 = arith.constant 16 : i32
    %scan3A_47 = arith.addi %scan3A, %scan3A_46 : i32
    %scan3A_48 = arith.constant 1 : i32
    %scan3A_49:2 = scf.for %scan3A_56 = %scan3A to %scan3A_47 step %scan3A_48 iter_args(%scan3A_57 = %broadcast_in_dim3A_43, %scan3A_58 = %broadcast_in_dim3A_45) -> (vector<32x1xf32>, vector<32x32xf32>)  : i32 {
      %mul3A_59 = arith.constant 8192 : i32
      %mul3A_60 = arith.muli %scan3A_56, %mul3A_59 : i32
      %get3A_61 = arith.constant 0 : index
      %get3A_62 = arith.index_cast %mul3A_60 : i32 to index
      %get3A_63 = vector.load %arg0[%get3A_61, %get3A_62] : memref<32x131072xf32, #tpu.memory_space<vmem>>, vector<32x8192xf32>
      %dot_general3A_64 = arith.constant dense<0.000000e+00> : vector<32x8192xf32>
      %dot_general3A_65 = tpu.matmul %get3A_1, %get3A_63, %dot_general3A_64 {dimension_numbers = #tpu.dot_dimension_numbers<[1], [0], [0], [1], [0, 0, 1, 1], [], []>, precision = #tpu.contract_precision<fp32>, transpose_lhs_hint = false} : vector<32x32xf32>, vector<32x8192xf32>, vector<32x8192xf32> -> vector<32x8192xf32>
      %mul3A_66 = vector.broadcast %mul3A_38 : vector<32x1xf32> to vector<32x8192xf32>
      %mul3A_67 = arith.mulf %dot_general3A_65, %mul3A_66 : vector<32x8192xf32>
      %add3A_68 = vector.broadcast %add3A_41 : vector<32x1xf32> to vector<32x8192xf32>
      %add3A_69 = arith.addf %mul3A_67, %add3A_68 : vector<32x8192xf32>
      %max3A = arith.constant 0.000000e+00 : f32
      %max3A_70 = vector.broadcast %max3A : f32 to vector<32x8192xf32>
      %max3A_71 = arith.maximumf %add3A_69, %max3A_70 : vector<32x8192xf32>
      %mul3A_72 = arith.constant 8192 : i32
      %mul3A_73 = arith.muli %scan3A_56, %mul3A_72 : i32
      %swap3A_74 = arith.constant 0 : index
      %swap3A_75 = arith.index_cast %mul3A_73 : i32 to index
      %swap3A_76 = vector.load %arg7[%swap3A_74, %swap3A_75] : memref<32x131072xf32, #tpu.memory_space<vmem>>, vector<32x8192xf32>
      tpu.vector_store %arg7[%swap3A_74, %swap3A_75], %max3A_71 {strides = array<i32>} : memref<32x131072xf32, #tpu.memory_space<vmem>>, vector<32x8192xf32>,
      %reduce_sum3A_77 = arith.constant dense<0.000000e+00> : vector<32xf32>
      %reduce_sum3A_78 = vector.multi_reduction <add>, %max3A_71, %reduce_sum3A_77 [1] : vector<32x8192xf32> to vector<32xf32>
      %broadcast_in_dim3A_79 = vector.shape_cast %reduce_sum3A_78 : vector<32xf32> to vector<32x1xf32>
      %add3A_80 = arith.addf %scan3A_57, %broadcast_in_dim3A_79 : vector<32x1xf32>
      %dot_general3A_81 = arith.constant dense<0.000000e+00> : vector<32x32xf32>
      %dot_general3A_82 = tpu.matmul %max3A_71, %max3A_71, %dot_general3A_81 {dimension_numbers = #tpu.dot_dimension_numbers<[1], [1], [0], [0], [0, 0, 1, 0], [], []>, precision = #tpu.contract_precision<fp32>, transpose_lhs_hint = false} : vector<32x8192xf32>, vector<32x8192xf32>, vector<32x32xf32> -> vector<32x32xf32>
      %add3A_83 = arith.addf %scan3A_58, %dot_general3A_82 : vector<32x32xf32>
      scf.yield %add3A_80, %add3A_83 : vector<32x1xf32>, vector<32x32xf32>
    }
    %scan3A_50 = arith.constant 16 : i32
    %swap3A = arith.constant 0 : index
    %swap3A_51 = arith.constant 0 : index
    %swap3A_52 = vector.load %arg8[%swap3A, %swap3A_51] : memref<32x1xf32, #tpu.memory_space<vmem>>, vector<32x1xf32>
    tpu.vector_store %arg8[%swap3A, %swap3A_51], %scan3A_49#0 {strides = array<i32>} : memref<32x1xf32, #tpu.memory_space<vmem>>, vector<32x1xf32>,
    %swap3A_53 = arith.constant 0 : index
    %swap3A_54 = arith.constant 0 : index
    %swap3A_55 = vector.load %arg9[%swap3A_53, %swap3A_54] : memref<32x32xf32, #tpu.memory_space<vmem>>, vector<32x32xf32>
    tpu.vector_store %arg9[%swap3A_53, %swap3A_54], %scan3A_49#1 {strides = array<i32>} : memref<32x32xf32, #tpu.memory_space<vmem>>, vector<32x32xf32>,
    return
  }
}

module attributes {stable_mosaic.version = 14 : i64} {
  func.func @_layer2_body(%arg0: memref<32x131072xf32, #tpu.memory_space<vmem>>, %arg1: memref<32x1xf32, #tpu.memory_space<vmem>>, %arg2: memref<32x32xf32, #tpu.memory_space<vmem>>, %arg3: memref<64x32xf32, #tpu.memory_space<vmem>>, %arg4: memref<64x1xf32, #tpu.memory_space<vmem>>, %arg5: memref<64x1xf32, #tpu.memory_space<vmem>>, %arg6: memref<64x1xf32, #tpu.memory_space<vmem>>, %arg7: memref<64x4096xf32, #tpu.memory_space<vmem>>) attributes {dimension_semantics = [], scalar_prefetch = 0 : i64, scratch_operands = 0 : i64, tpu.core_type = #tpu.core_type<tc>} {
    %get3A = arith.constant 0 : index
    %get3A_0 = arith.constant 0 : index
    %get3A_1 = vector.load %arg3[%get3A, %get3A_0] : memref<64x32xf32, #tpu.memory_space<vmem>>, vector<64x32xf32>
    %get3A_2 = arith.constant 0 : index
    %get3A_3 = arith.constant 0 : index
    %get3A_4 = vector.load %arg1[%get3A_2, %get3A_3] : memref<32x1xf32, #tpu.memory_space<vmem>>, vector<32x1xf32>
    %get3A_5 = arith.constant 0 : index
    %get3A_6 = arith.constant 0 : index
    %get3A_7 = vector.load %arg2[%get3A_5, %get3A_6] : memref<32x32xf32, #tpu.memory_space<vmem>>, vector<32x32xf32>
    %get3A_8 = arith.constant 0 : index
    %get3A_9 = arith.constant 0 : index
    %get3A_10 = vector.load %arg4[%get3A_8, %get3A_9] : memref<64x1xf32, #tpu.memory_space<vmem>>, vector<64x1xf32>
    %get3A_11 = arith.constant 0 : index
    %get3A_12 = arith.constant 0 : index
    %get3A_13 = vector.load %arg5[%get3A_11, %get3A_12] : memref<64x1xf32, #tpu.memory_space<vmem>>, vector<64x1xf32>
    %get3A_14 = arith.constant 0 : index
    %get3A_15 = arith.constant 0 : index
    %get3A_16 = vector.load %arg6[%get3A_14, %get3A_15] : memref<64x1xf32, #tpu.memory_space<vmem>>, vector<64x1xf32>
    %mul3A = arith.constant 7.62939453E-6 : f32
    %mul3A_17 = vector.broadcast %mul3A : f32 to vector<32x1xf32>
    %mul3A_18 = arith.mulf %get3A_4, %mul3A_17 : vector<32x1xf32>
    %dot_general3A = arith.constant dense<0.000000e+00> : vector<64x1xf32>
    %dot_general3A_19 = tpu.matmul %get3A_1, %mul3A_18, %dot_general3A {dimension_numbers = #tpu.dot_dimension_numbers<[1], [0], [0], [1], [0, 0, 1, 1], [], []>, precision = #tpu.contract_precision<fp32>, transpose_lhs_hint = false} : vector<64x32xf32>, vector<32x1xf32>, vector<64x1xf32> -> vector<64x1xf32>
    %add3A = arith.addf %dot_general3A_19, %get3A_10 : vector<64x1xf32>
    %dot_general3A_20 = arith.constant dense<0.000000e+00> : vector<64x32xf32>
    %dot_general3A_21 = tpu.matmul %get3A_1, %get3A_7, %dot_general3A_20 {dimension_numbers = #tpu.dot_dimension_numbers<[1], [0], [0], [1], [0, 0, 1, 1], [], []>, precision = #tpu.contract_precision<fp32>, transpose_lhs_hint = false} : vector<64x32xf32>, vector<32x32xf32>, vector<64x32xf32> -> vector<64x32xf32>
    %mul3A_22 = arith.mulf %get3A_1, %dot_general3A_21 : vector<64x32xf32>
    %reduce_sum3A = arith.constant dense<0.000000e+00> : vector<64xf32>
    %reduce_sum3A_23 = vector.multi_reduction <add>, %mul3A_22, %reduce_sum3A [1] : vector<64x32xf32> to vector<64xf32>
    %broadcast_in_dim3A = vector.shape_cast %reduce_sum3A_23 : vector<64xf32> to vector<64x1xf32>
    %mul3A_24 = arith.constant 7.62939453E-6 : f32
    %mul3A_25 = vector.broadcast %mul3A_24 : f32 to vector<64x1xf32>
    %mul3A_26 = arith.mulf %broadcast_in_dim3A, %mul3A_25 : vector<64x1xf32>
    %mul3A_27 = arith.constant 2.000000e+00 : f32
    %mul3A_28 = vector.broadcast %mul3A_27 : f32 to vector<64x1xf32>
    %mul3A_29 = arith.mulf %mul3A_28, %get3A_10 : vector<64x1xf32>
    %mul3A_30 = arith.mulf %mul3A_29, %dot_general3A_19 : vector<64x1xf32>
    %add3A_31 = arith.addf %mul3A_26, %mul3A_30 : vector<64x1xf32>
    %mul3A_32 = arith.mulf %get3A_10, %get3A_10 : vector<64x1xf32>
    %add3A_33 = arith.addf %add3A_31, %mul3A_32 : vector<64x1xf32>
    %mul3A_34 = arith.mulf %add3A, %add3A : vector<64x1xf32>
    %sub3A = arith.subf %add3A_33, %mul3A_34 : vector<64x1xf32>
    %add3A_35 = arith.constant 9.99999974E-6 : f32
    %add3A_36 = vector.broadcast %add3A_35 : f32 to vector<64x1xf32>
    %add3A_37 = arith.addf %sub3A, %add3A_36 : vector<64x1xf32>
    %rsqrt3A = math.rsqrt %add3A_37 : vector<64x1xf32>
    %mul3A_38 = arith.mulf %get3A_13, %rsqrt3A : vector<64x1xf32>
    %sub3A_39 = arith.subf %get3A_10, %add3A : vector<64x1xf32>
    %mul3A_40 = arith.mulf %mul3A_38, %sub3A_39 : vector<64x1xf32>
    %add3A_41 = arith.addf %mul3A_40, %get3A_16 : vector<64x1xf32>
    %broadcast_in_dim3A_42 = arith.constant 0xFF800000 : f32
    %broadcast_in_dim3A_43 = vector.broadcast %broadcast_in_dim3A_42 : f32 to vector<64x4096xf32>
    %scan3A = arith.constant 0 : i32
    %scan3A_44 = arith.constant 32 : i32
    %scan3A_45 = arith.addi %scan3A, %scan3A_44 : i32
    %scan3A_46 = arith.constant 1 : i32
    %scan3A_47 = scf.for %scan3A_51 = %scan3A to %scan3A_45 step %scan3A_46 iter_args(%scan3A_52 = %broadcast_in_dim3A_43) -> (vector<64x4096xf32>)  : i32 {
      %mul3A_53 = arith.constant 4096 : i32
      %mul3A_54 = arith.muli %scan3A_51, %mul3A_53 : i32
      %get3A_55 = arith.constant 0 : index
      %get3A_56 = arith.index_cast %mul3A_54 : i32 to index
      %get3A_57 = vector.load %arg0[%get3A_55, %get3A_56] : memref<32x131072xf32, #tpu.memory_space<vmem>>, vector<32x4096xf32>
      %dot_general3A_58 = arith.constant dense<0.000000e+00> : vector<64x4096xf32>
      %dot_general3A_59 = tpu.matmul %get3A_1, %get3A_57, %dot_general3A_58 {dimension_numbers = #tpu.dot_dimension_numbers<[1], [0], [0], [1], [0, 0, 1, 1], [], []>, precision = #tpu.contract_precision<fp32>, transpose_lhs_hint = false} : vector<64x32xf32>, vector<32x4096xf32>, vector<64x4096xf32> -> vector<64x4096xf32>
      %mul3A_60 = vector.broadcast %mul3A_38 : vector<64x1xf32> to vector<64x4096xf32>
      %mul3A_61 = arith.mulf %dot_general3A_59, %mul3A_60 : vector<64x4096xf32>
      %add3A_62 = vector.broadcast %add3A_41 : vector<64x1xf32> to vector<64x4096xf32>
      %add3A_63 = arith.addf %mul3A_61, %add3A_62 : vector<64x4096xf32>
      %max3A = arith.constant 0.000000e+00 : f32
      %max3A_64 = vector.broadcast %max3A : f32 to vector<64x4096xf32>
      %max3A_65 = arith.maximumf %add3A_63, %max3A_64 : vector<64x4096xf32>
      %max3A_66 = arith.maximumf %scan3A_52, %max3A_65 : vector<64x4096xf32>
      scf.yield %max3A_66 : vector<64x4096xf32>
    }
    %scan3A_48 = arith.constant 32 : i32
    %swap3A = arith.constant 0 : index
    %swap3A_49 = arith.constant 0 : index
    %swap3A_50 = vector.load %arg7[%swap3A, %swap3A_49] : memref<64x4096xf32, #tpu.memory_space<vmem>>, vector<64x4096xf32>
    tpu.vector_store %arg7[%swap3A, %swap3A_49], %scan3A_47 {strides = array<i32>} : memref<64x4096xf32, #tpu.memory_space<vmem>>, vector<64x4096xf32>,
    return
  }
}

</mosaic_0001>

<sc_bundles>
// kernel: kernel.8.cloned.1.call-start
scs
__scs_entry_jumppad:
0x0: {  	(pc) =	sbr.rel $0x88, $3  }
0x1: {  	(tag) =	ssettag $0x0;
	lr =	simm.s32 $0x1  }
0x2: {  	[smem:$0x3F93] =	sst lr;
	_ =	strace $0xD0000000  }
0x3: {  	_ = 	snop  }
0x4: {  	_ = 	snop  }
0x5: {  	_ = 	snop  }
0x6: {  	_ = 	snop  }
0x7: {  	_ = 	snop  }
__scs_overlays_trampoline_lowered:
0x8: {  	[smem:$0x3FA2] =	sst s0  }
0x9: {  	[smem:$0x3FA3] =	sst s1  }
0xa: {  	[smem:$0x3FA4] =	sst s2  }
0xb: {  	[smem:$0x3FA5] =	sst s3  }
0xc: {  	[smem:$0x3FA6] =	sst s4  }
0xd: {  	[smem:$0x3FA7] =	sst s5  }
0xe: {  	[smem:$0x3FA8] =	sst s6  }
0xf: {  	[smem:$0x3FA9] =	sst s7  }
0x10: {  	[smem:$0x3FAA] =	sst s8  }
0x11: {  	[smem:$0x3FAB] =	sst s9;
	s0 =	simm.s32 @!p0 $0x0  }
0x12: {  	s1 =	sld [smem:$0x3F91];
	s0 =	simm.s32 @p0 $0x1  }
0x13: {  	[smem:$0x3FAC] =	sst s0;
	s0 =	simm.s32 @!p1 $0x0  }
0x14: {  	s2 =	sld [smem:$0x3F90];
	s0 =	simm.s32 @p1 $0x1  }
0x15: {  	[smem:$0x3FAD] =	sst s0;
	s0 =	simm.s32 @!p2 $0x0  }
0x16: {  	s3 =	sld [smem:$0x3FDB];
	s0 =	simm.s32 @p2 $0x1  }
0x17: {  	s4 =	simm.s32 $0x1BF5;
	[smem:$0x3FAF] =	sst s0  }
0x18: {  	s0 =	sld [smem:$0x3F92];
	_ =	swait.ge [sflag:s4], $0x0  }
0x19: {  	s7 =	sld [smem:$0x3F93]  }
0x1a: {  	s8 =	sadd.s32 $0xFFFFE003, lr  }
0x1b: {  	s9 =	sadd.s32 $0xFFFFFEF7, lr;
	s5 =	simm.s32 $0xFFFFFFFF;
	p2 =	slt.u32 s8, $0xFFFFF086  }
0x1c: {  	p1 =	slt.u32 s9, $0xF7A;
	s5 =	simm.s32 @!p2 $0x0  }
0x1d: {  	s5 =	simm.s32 @p1 $0x1;
	p0 =	seq.s32 s7, s2  }
0x1e: {  	s7 =	smul.u32 @!p0 $0xF7A, s2;
	p2 =	seq.s32 @!p0 s5, $0x0  }
0x1f: {  	s9 =	smul.u32 $0xF7A, s1;
	s8 =	simm.s32 @!p0 $0x1BF5;
	p2 =	por !p2, p0  }
0x20: {  	[sflag:s8] =	ssyncset.s32 @!p0 $0xFFFFF086;
	s6 =	sadd.s32 @!p0 s3, s7;
	s7 =	simm.s32 @!p0 $0x108  }
0x21: {  	s3 =	sadd.s32 s3, s9;
	s6 =	sadd.s32 @!p0 $0x88, s6;
	s7 =	simm.s32 @p2 $0x1082  }
0x22: {  	[simem:s7], [sflag:s8] =	dma.local @!p0 [hbm:s6], $0xF7A  }
0x23: {  	s9 =	sor.u32 $0xD0000000, s2;
	s6 =	simm.s32 $0x108;
	_ =	swait.ge @!p0 [sflag:s8], $0x0  }
0x24: {  	s3 =	sadd.s32 $0x88, s3;
	s6 =	simm.s32 @!p1 $0x1082;
	[sflag:s4] =	ssyncset.s32 $0xFFFFF086  }
0x25: {  	[simem:s6], [sflag:s4] =	dma.local [hbm:s3], $0xF7A  }
0x26: {  	[smem:$0x3F93] =	sst s1;
	(tag) =	ssettag s2;
	_ =	strace s9  }
0x27: {  	s1 =	sld [smem:$0x3FA3]  }
0x28: {  	s2 =	sld [smem:$0x3FA4]  }
0x29: {  	s4 =	sld [smem:$0x3FA6]  }
0x2a: {  	p0 =	seq.s32 s5, $0x0;
	s5 =	sld [smem:$0x3FA7]  }
0x2b: {  	s6 =	sld [smem:$0x3FA8]  }
0x2c: {  	s7 =	sld [smem:$0x3FA9]  }
0x2d: {  	s3 =	simm.s32 $0x108;
	s8 =	sld [smem:$0x3FAA]  }
0x2e: {  	s3 =	simm.s32 @!p0 $0x1082;
	s9 =	sld [smem:$0x3FAB]  }
0x2f: {  	lr =	sadd.s32 s0, s3;
	s0 =	sld [smem:$0x3FA2]  }
0x30: {  	s3 =	sld [smem:$0x3FA5]  }
0x31: {  	[smem:$0x3FAE] =	sst s10  }
0x32: {  	s10 =	sld [smem:$0x3FAC];
	_ =	sdelay $0x3  }
0x33: {  	p0 =	seq.s32 s10, $0x1;
	s10 =	sld [smem:$0x3FAE];
	_ =	sdelay $0x3  }
0x34: {  	[smem:$0x3FAE] =	sst s10  }
0x35: {  	s10 =	sld [smem:$0x3FAD];
	_ =	sdelay $0x3  }
0x36: {  	p1 =	seq.s32 s10, $0x1;
	s10 =	sld [smem:$0x3FAE];
	_ =	sdelay $0x3  }
0x37: {  	[smem:$0x3FAE] =	sst s10  }
0x38: {  	s10 =	sld [smem:$0x3FAF]  }
0x39: {  	_ = 	snop;
	(pc) =	sbr.ind lr, $3  }
0x3a: {  	_ = 	snop  }
0x3b: {  	_ = 	snop  }
0x3c: {  	p2 =	seq.s32 s10, $0x1;
	s10 =	sld [smem:$0x3FAE]  }
0x3d: {  	_ =	shalt  }
0x3e: {  	_ =	shalt  }
0x3f: {  	_ =	shalt  }
0x40: {  	_ =	shalt  }
0x41: {  	_ =	shalt  }
0x42: {  	_ =	shalt  }
0x43: {  	_ =	shalt  }
0x44: {  	_ =	shalt  }
0x45: {  	_ =	shalt  }
0x46: {  	_ =	shalt  }
0x47: {  	_ =	shalt  }
0x48: {  	_ =	shalt  }
0x49: {  	_ =	shalt  }
0x4a: {  	_ =	shalt  }
0x4b: {  	_ =	shalt  }
0x4c: {  	_ =	shalt  }
0x4d: {  	_ =	shalt  }
0x4e: {  	_ =	shalt  }
0x4f: {  	_ =	shalt  }
0x50: {  	_ =	shalt  }
0x51: {  	_ =	shalt  }
0x52: {  	_ =	shalt  }
0x53: {  	_ =	shalt  }
0x54: {  	_ =	shalt  }
0x55: {  	_ =	shalt  }
0x56: {  	_ =	shalt  }
0x57: {  	_ =	shalt  }
0x58: {  	_ =	shalt  }
0x59: {  	_ =	shalt  }
0x5a: {  	_ =	shalt  }
0x5b: {  	_ =	shalt  }
0x5c: {  	_ =	shalt  }
0x5d: {  	_ =	shalt  }
0x5e: {  	_ =	shalt  }
0x5f: {  	_ =	shalt  }
0x60: {  	_ =	shalt  }
0x61: {  	_ =	shalt  }
0x62: {  	_ =	shalt  }
0x63: {  	_ =	shalt  }
0x64: {  	_ =	shalt  }
0x65: {  	_ =	shalt  }
0x66: {  	_ =	shalt  }
0x67: {  	_ =	shalt  }
0x68: {  	_ =	shalt  }
0x69: {  	_ =	shalt  }
0x6a: {  	_ =	shalt  }
0x6b: {  	_ =	shalt  }
0x6c: {  	_ =	shalt  }
0x6d: {  	_ =	shalt  }
0x6e: {  	_ =	shalt  }
0x6f: {  	_ =	shalt  }
0x70: {  	_ =	shalt  }
0x71: {  	_ =	shalt  }
0x72: {  	_ =	shalt  }
0x73: {  	_ =	shalt  }
0x74: {  	_ =	shalt  }
0x75: {  	_ =	shalt  }
0x76: {  	_ =	shalt  }
0x77: {  	_ =	shalt  }
0x78: {  	_ =	shalt  }
0x79: {  	_ =	shalt  }
0x7a: {  	_ =	shalt  }
0x7b: {  	_ =	shalt  }
0x7c: {  	_ =	shalt  }
0x7d: {  	_ =	shalt  }
0x7e: {  	_ =	shalt  }
0x7f: {  	_ =	shalt  }
0x80: {  	_ =	shalt  }
0x81: {  	_ =	shalt  }
0x82: {  	_ =	shalt  }
0x83: {  	_ =	shalt  }
0x84: {  	_ =	shalt  }
0x85: {  	_ =	shalt  }
0x86: {  	_ =	shalt  }
0x87: {  	_ =	shalt  }
.Lfunc_end0:
.L_simem_size_0:
called_computation_lowered:
.L_overlay_start_0:
0x88: {  	s2 =	sld [smem:$0x3FD9]  }
0x89: {  	s3 =	sld [smem:$0x3FFE];
	_ =	sdelay $0x1  }
0x8a: {  	s1 =	srdreg.scid  }
0x8b: {  	s0 =	sand.u32 $0x1, s1  }
0x8c: {  	s14 =	sshll.u32 s0, $0xA;
	s2 =	sadd.s32 s3, s2  }
0x8d: {  	s2 =	sadd.s32 s2, s14  }
0x8e: {  	[smem:$0x3FBA] =	sst s2  }
0x8f: {  	_ = 	snop  }
0x90: {  	s2 =	sld [smem:$0x3FD0];
	_ =	sdelay $0x2  }
0x91: {  	s15 =	simm.s32 $0xA;
	s4 =	simm.s32 $0x10  }
0x92: {  	[smem:s4], [sflag:s15] =	dma.local [hbm:s2], $0x1  }
0x93: {  	_ =	swait.eq [sflag:s15], $0x1  }
0x94: {  	[sflag:s15] =	ssyncset.done $0x0  }
0x95: {  	[sflag:s15] =	ssyncadd.s32 $0xFFFFFFFF  }
0x96: {  	s16 =	sld [smem:$0x11];
	(tm) =	ssettm $0x1  }
0x97: {  	s17 =	sld [smem:$0x3FFB];
	_ =	sdelay $0x3  }
0x98: {  	_ =	strace s17  }
0x99: {  	s3 =	sld [smem:$0x3FFC];
	_ =	sdelay $0x3  }
0x9a: {  	_ =	strace s3  }
0x9b: {  	s3 =	sld [smem:$0x3FFD];
	_ =	sdelay $0x3  }
0x9c: {  	_ =	strace s3  }
0x9d: {  	_ =	strace $0x8FFFFFFF  }
0x9e: {  	s18 =	sld [smem:$0x3FDB];
	_ =	sdelay $0x1  }
0x9f: {  	s19 =	simm.s32 $_scs_section_size  }
0xa0: {  	s5 =	simm.s32 $_size__tile_overlayer_lowered;
	s6 =	simm.s32 $_tile_overlayer_lowered  }
0xa1: {  	s22 =	simm.s32 $0x1BFF;
	s21 =	sshll.u32 s6, $0x1;
	s3 =	sadd.s32 s19, s18  }
0xa2: {  	s7 =	simm.s32 $0x0;
	s20 =	sshll.u32 s5, $0x1;
	s5 =	sadd.s32 s21, s3  }
0xa3: {  	[timem:s7], [sflag:s22] =	dma.local [hbm:s5], s20  }
0xa4: {  	_ =	swait.ge [sflag:s22], s20  }
0xa5: {  	s4 =	ssub.s32 $0x0, s20;
	[sflag:s22] =	ssyncset.done $0x0  }
0xa6: {  	[sflag:s22] =	ssyncadd.s32 s4;
	_ =	sdelay $0x1  }
0xa7: {  	s23 =	simm.s32 $0x1B8B  }
0xa8: {  	_ =	swait.ge [sflag:s23], $0x1  }
0xa9: {  	[sflag:s23] =	ssyncset.done $0x0  }
0xaa: {  	s25 =	simm.s32 $0x1B8E;
	s24 =	sld [smem:$0x3FFE];
	[sflag:s23] =	ssyncadd.s32 $0xFFFFFFFF  }
0xab: {  	s26 =	simm.s32 $execute0_lowered;
	[smem:$0x3FD2] =	sst s25  }
0xac: {  	s5 =	sshll.u32 s26, $0x1;
	_ =	strace $0x80000046;
	[dreg:$0x1] =	wrdreg $0xFFFFFFFF  }
0xad: {  	s28 =	simm.s32 $_size_execute0_lowered;
	s3 =	sadd.s32 s3, s5;
	[dreg:$0x0] =	wrdreg $0x0  }
0xae: {  	s5 =	sshll.u32 s28, $0x1;
	[dreg:$0x2] =	wrdreg s3  }
0xaf: {  	[dreg:$0x3] =	wrdreg s5  }
0xb0: {  	[dreg:$0x4] =	wrdreg $0xC0  }
0xb1: {  	_ =	task [dreg:s7], $0x5FFFF  }
0xb2: {  	[dreg:$0x1] =	wrdreg $0xFFFFFFFF  }
0xb3: {  	[dreg:$0x0] =	wrdreg $0x60  }
0xb4: {  	[dreg:$0x2] =	wrdreg s16  }
0xb5: {  	[dreg:$0x3] =	wrdreg s24  }
0xb6: {  	[dreg:$0x4] =	wrdreg $0x9  }
0xb7: {  	_ =	task.clear_ibuf [dreg:s7], $0x5FFFF;
	_ =	strace $0x90000046  }
0xb8: {  	s29 =	simm.s32 $0x9;
	_ =	strace $0x80000048  }
0xb9: {  	_ =	swait.ge [sflag:s29], $0x1  }
0xba: {  	[sflag:s29] =	ssyncadd.s32 $0xFFFFFFFF  }
0xbb: {  	_ =	strace $0x90000048  }
0xbc: {  	_ =	sfence  }
0xbd: {  	s30 =	sld [smem:$0x0];
	_ =	sdelay $0x2  }
0xbe: {  	s31 =	sshll.u32 s1, $0xD;
	s1 =	sshrl.u32 s1, $0x2  }
0xbf: {  	s3 =	sand.u32 $0x4000, s31;
	s1 =	sadd.s32 s1, s30  }
0xc0: {  	s0 =	sor.u32 s3, s0;
	s1 =	sshll.u32 s1, $0x11  }
0xc1: {  	s0 =	sor.u32 s1, s0  }
0xc2: {  	s0 =	sadd.s32 $0x8F2B, s0  }
0xc3: {  	[sflag:s0] =	ssyncadd.remote.s32 $0x1  }
0xc4: {  	_ =	sfence.sel $0xFFFF  }
0xc5: {  	[dreg:$0x0] =	wrdreg $0xFFFFFFFF;
	(pc) =	sbr.abs _section_cstart, $3  }
0xc6: {  	[dreg:$0x1] =	wrdreg $0xFFFFFFFF  }
0xc7: {  	_ =	task.clear_ibuf [dreg:s7], $0x2FFFF;
	_ =	strace $0x9FFFFFFF  }
0xc8: {  	(tm) =	ssettm $0x7FFFFFFF  }
0xc9: {  	_ =	shalt  }
tec
execute0_lowered:
.L_overlay_start_1:
0x0: {  	(tag) =	ssettag $0x1  }
0x1: {  	s1 =	srdreg.scid  }
0x2: {  	s0 =	stileid.u32;
	s6 =	sand.u32 $0x1, s1  }
0x3: {  	s2 =	rddreg [dreg:$0x0];
	s30 =	sshll.u32 s0, $0xD;
	s3 =	sshll.u32 s6, $0xC  }
0x4: {  	s8 =	rddreg [dreg:$0x1];
	s9 =	sor.u32 s3, s30  }
0x5: {  	s1 =	rddreg [dreg:$0x2];
	s3 =	simm.s32 $0x0;
	s4 =	sshrl.u32 s9, $0x3  }
0x6: {  	s10 =	ssub.s32 $0x2, s6;
	[smem:$0x7FF] =	sst s3;
	s4 =	sadd.s32 s4, s8  }
0x7: {  	_ =	strace $0x80000047;
	s5 =	sadd.s32 $0x3000, s4;
	s4 =	simm.s32 $0x2  }
0x8: {  	[tilespmem:s3], [sflag:$0x2] =	stream.linear.gather [hbm4b:s5+s3], $0x1000, $0x38;
	[tilespmem:$0x9000] =	vst v63  }
0x9: {  	s7 =	simm.s32 $0x1;
	s11 =	sshrl.u32 s10, $0x1;
	_ =	swait.ge [sflag:s4], $0x1000  }
0xa: {  	s6 =	simm.s32 $0x1000;
	s31 =	ssub.s32 s10, s11;
	[sflag:s4] =	ssyncset.done $0x0  }
0xb: {  	s8 =	sadd.s32 s9, s8;
	s9 =	smax.u32 s31, $0x1;
	[sflag:s4] =	ssyncadd.s32 $0xFFFFF000  }
0xc: {  	[tilespmem:s6], [sflag:$0x1] =	stream.indirect.gather [hbm4b:s2+s6], $0x8, s3, s6, $0xb8;
	[tilespmem:$0x9000] =	vst v63  }
0xd: {  	p0 =	sne.s32 s9, $0x1;
	_ =	swait.ge [sflag:s7], $0x8000  }
.Ltmp0:
0xe: {  	[sflag:s7] =	ssyncset.done $0x0;
	(pc) =	sbr.rel @!p0 .LBB2_2-.Ltmp0, $4  }
0xf: {  	s8 =	sadd.s32 $0x7000, s8;
	[sflag:s7] =	ssyncadd.s32 $0xFFFF8000  }
0x10: {  	[hbm4b:s8+s3] =	stream.linear.scatter [tilespmem:s6], [sflag:$0x2], $0x8000, $0x38;
	[tilespmem:$0x9000] =	vst v63  }
0x11: {  	_ =	swait.ge [sflag:s4], $0x8000  }
0x12: {  	s9 =	sadd.s32 $0xFFFFFFFF, s9;
	[sflag:s4] =	ssyncset.done $0x0  }
.LBB2_1:
0x13: {  	p0 =	sne.s32 s9, $0x1;
	s9 =	sadd.s32 $0xFFFFFFFF, s9;
	[sflag:s4] =	ssyncadd.s32 $0xFFFF8000  }
0x14: {  	[tilespmem:s3], [sflag:$0x2] =	stream.linear.gather [hbm4b:s5+s3], $0x1000, $0x38;
	[tilespmem:$0x9000] =	vst v63  }
0x15: {  	_ =	swait.ge [sflag:s4], $0x1000  }
0x16: {  	[sflag:s4] =	ssyncset.done $0x0  }
0x17: {  	[sflag:s4] =	ssyncadd.s32 $0xFFFFF000  }
0x18: {  	[tilespmem:s6], [sflag:$0x1] =	stream.indirect.gather [hbm4b:s2+s6], $0x8, s3, s6, $0xb8;
	[tilespmem:$0x9000] =	vst v63  }
0x19: {  	_ =	swait.ge [sflag:s7], $0x8000  }
.Ltmp1:
0x1a: {  	[sflag:s7] =	ssyncset.done $0x0;
	(pc) =	sbr.rel @p0 .LBB2_1-.Ltmp1, $4  }
0x1b: {  	[sflag:s7] =	ssyncadd.s32 $0xFFFF8000  }
0x1c: {  	[hbm4b:s8+s3] =	stream.linear.scatter [tilespmem:s6], [sflag:$0x2], $0x8000, $0x38;
	[tilespmem:$0x9000] =	vst v63  }
0x1d: {  	_ =	swait.ge [sflag:s4], $0x8000  }
0x1e: {  	[sflag:s4] =	ssyncset.done $0x0  }
.LBB2_2:
0x1f: {  	[sflag:s4] =	ssyncadd.s32 $0xFFFF8000  }
0x20: {  	_ =	sfence.sel $0x180000  }
0x21: {  	[bflag:$0x0] =	sbarrier.arrive $0xFFFF  }
0x22: {  	p0 =	sne.s32 s0, $0x0;
	_ =	strace $0x90000047  }
0x23: {  	s0 =	sadd.s32 @!p0 $0x100000, s1;
	[bflag:$0x2] =	sbarrier.arrive $0xFFFF  }
0x24: {  	[sflag:s0] =	ssyncadd.tile.s32 @!p0 $0x1;
	_ =	shalt  }
.Lfunc_end2:
_tile_overlayer_lowered:
.L_overlay_start_2:
0x25: {  	(tag) =	ssettag $0x2  }
0x26: {  	s0 =	rddreg [dreg:$0x0];
	s2 =	stileid.u32  }
0x27: {  	s1 =	rddreg [dreg:$0x1];
	p0 =	sne.s32 s2, $0x0  }
0x28: {  	s3 =	rddreg [dreg:$0x2];
	[bflag:$0x3] =	sbarrier.arrive $0xFFFF;
	s2 =	simm.s32 @!p0 $0x1C02  }
0x29: {  	[timem:s3], [sflag:s2] =	dma.local @!p0 [hbm:s0], s1  }
0x2a: {  	s0 =	simm.s32 @!p0 $0x2  }
0x2b: {  	_ =	swait.ge @!p0 [sflag:s0], s1  }
0x2c: {  	s1 =	ssub.s32 @!p0 $0x0, s1;
	[sflag:s0] =	ssyncset.done @!p0 $0x0  }
0x2d: {  	[sflag:s0] =	ssyncadd.s32 @!p0 s1  }
0x2e: {  	[bflag:$0x3] =	sbarrier.arrive $0xFFFF  }
0x2f: {  	_ =	shalt  }

</sc_bundles>
